<compile_context>
chip_gen: v7x
topology: tpu7x:2x2x1
jax: 0.10.2.dev20260603
libtpu: 0.0.44.dev20260713+nightly
codegen_flags: <defaults>
</compile_context>

<pallas_src>
import functools

import jax
import jax.numpy as jnp
from jax import lax
from jax.experimental import pallas as pl
from jax.experimental.pallas import tpu as pltpu
from jax.experimental.pallas import tpu_sc as plsc

VOCAB = 100000
HIDDEN = 128
NUM_CLASSES = 1000
B = 4096
L = 200

_NC = 2
_NS = 16
_NW = _NC * _NS
_ROWS_PER_W = B // _NW
_IDX_PER_W = _ROWS_PER_W * L
_NBUF = 3
_G1 = 104
_G2 = L - _G1
_HREG = HIDDEN // 16


def _sc_pool(table, idx_flat):
  mesh = plsc.VectorSubcoreMesh(core_axis_name="c", subcore_axis_name="s")

  @functools.partial(
      pl.kernel,
      out_type=jax.ShapeDtypeStruct((B, HIDDEN), jnp.float32),
      mesh=mesh,
      scratch_types=[
          pltpu.VMEM((_IDX_PER_W,), jnp.int32),
          pltpu.VMEM((_NBUF, L, HIDDEN), jnp.float32),
          pltpu.VMEM((_ROWS_PER_W, HIDDEN), jnp.float32),
          pltpu.SemaphoreType.DMA,
          pltpu.SemaphoreType.DMA,
          pltpu.SemaphoreType.DMA,
          pltpu.SemaphoreType.DMA,
      ],
  )
  def k(table_hbm, idx_hbm, out_hbm, idx_v, rows_v, pooled_v, sem0, sem1,
        sem2, sem_s):
    wid = lax.axis_index("s") * _NC + lax.axis_index("c")
    sems = (sem0, sem1, sem2)

    ibase = pl.multiple_of(wid * _IDX_PER_W, 8)
    pltpu.sync_copy(idx_hbm.at[pl.ds(ibase, _IDX_PER_W)], idx_v)

    def issue(r, b, sem):
      off = pl.multiple_of(r * L, 8)
      pltpu.async_copy(
          table_hbm.at[idx_v.at[pl.ds(off, _G1)]],
          rows_v.at[b, pl.ds(0, _G1)], sem)
      off2 = pl.multiple_of(r * L + _G1, 8)
      pltpu.async_copy(
          table_hbm.at[idx_v.at[pl.ds(off2, _G2)]],
          rows_v.at[b, pl.ds(_G1, _G2)], sem)

    def drain(b, sem):
      pltpu.make_async_copy(
          table_hbm.at[pl.ds(0, L)], rows_v.at[b], sem).wait()

    def reduce_row(r, b):
      zero = tuple(jnp.zeros((16,), jnp.float32) for _ in range(_HREG))

      @plsc.parallel_loop(0, L, unroll=4, carry=zero)
      def accs(j, acc):
        return tuple(acc[h] + rows_v[b, j, pl.ds(h * 16, 16)]
                     for h in range(_HREG))

      inv = jnp.float32(1.0 / L)
      for h in range(_HREG):
        pooled_v[r, pl.ds(h * 16, 16)] = accs[h] * inv

    for b in range(_NBUF):
      issue(b, b, sems[b])

    def outer(r0):
      for b in range(_NBUF):
        r = r0 + b

        @pl.when(r < _ROWS_PER_W)
        def _():
          drain(b, sems[b])
          reduce_row(r, b)

          @pl.when(r + _NBUF < _ROWS_PER_W)
          def _():
            issue(r + _NBUF, b, sems[b])

    pl.loop(0, _ROWS_PER_W, step=_NBUF)(outer)

    obase = pl.multiple_of(wid * _ROWS_PER_W, 8)
    pltpu.async_copy(
        pooled_v, out_hbm.at[pl.ds(obase, _ROWS_PER_W)], sem_s).wait()

  return k(table, idx_flat)


def _mm_body(p_ref, w_ref, b_ref, o_ref):
  o_ref[...] = lax.dot_general(
      p_ref[...], w_ref[...], (((1,), (1,)), ((), ())),
      preferred_element_type=jnp.float32) + b_ref[...]


def _tc_classify(pooled, w, bias2d):
  bm = 1024
  return pl.pallas_call(
      _mm_body,
      grid=(B // bm,),
      in_specs=[
          pl.BlockSpec((bm, HIDDEN), lambda i: (i, 0)),
          pl.BlockSpec((NUM_CLASSES, HIDDEN), lambda i: (0, 0)),
          pl.BlockSpec((1, NUM_CLASSES), lambda i: (0, 0)),
      ],
      out_specs=pl.BlockSpec((bm, NUM_CLASSES), lambda i: (i, 0)),
      out_shape=jax.ShapeDtypeStruct((B, NUM_CLASSES), jnp.float32),
  )(pooled, w, bias2d)


@jax.jit
def kernel(x, embedding_weight, classifier_weight, classifier_bias):
  idx_flat = x.reshape(-1).astype(jnp.int32)
  pooled = _sc_pool(embedding_weight, idx_flat)
  return _tc_classify(pooled, classifier_weight,
                      classifier_bias.reshape(1, NUM_CLASSES))

# --- scband reference (transcript-rebuilt; emitter-appended) ---
"""Pipeline reference for scband-simple-token-classifier-70600672412190 (READ-ONLY COPY).

The authoritative reference and input builder live on the scoring server;
editing this copy changes nothing except your own understanding.
"""

import jax, jax.numpy as jnp
import numpy as np

VOCAB = 100000
HIDDEN = 128
NUM_CLASSES = 1000
B = 4096
L = 200


def setup_inputs(seed: int = 0) -> dict:
    key = jax.random.key(seed)
    k1, k2, k3 = jax.random.split(key, 3)
    x = jax.random.randint(k1, (B, L), 0, VOCAB)
    embedding_weight = jax.random.normal(k2, (VOCAB, HIDDEN), dtype=jnp.float32) * 0.02
    classifier_weight = jax.random.normal(k3, (NUM_CLASSES, HIDDEN), dtype=jnp.float32) * 0.02
    classifier_bias = jnp.zeros((NUM_CLASSES,), dtype=jnp.float32)
    return {
        "x": x,
        "embedding_weight": embedding_weight,
        "classifier_weight": classifier_weight,
        "classifier_bias": classifier_bias,
    }


def reference(x, embedding_weight, classifier_weight, classifier_bias):
    # nn.Embedding lookup -> [B, L, H]
    e = jnp.take(embedding_weight, x, axis=0)
    # transpose(1,2) + AdaptiveAvgPool1d(1) + squeeze == mean over the L axis
    pooled = jnp.mean(e, axis=1)  # [B, H]
    # nn.Linear
    return pooled @ classifier_weight.T + classifier_bias

if __name__ == "__main__":
    import jax
    _d = setup_inputs()
    print(jax.jit(kernel)(*tuple(_d.values())))

</pallas_src>

<mosaic_0001>
#map = affine_map<(d0, d1) -> (0, 0)>
#map1 = affine_map<(d0, d1) -> (0)>
module attributes {stable_mosaic.version = 14 : i64} {
  func.func @k(%arg0: i32, %arg1: i32, %arg2: memref<100000x128xf32, #tpu.memory_space<hbm>>, %arg3: memref<819200xi32, #tpu.memory_space<hbm>>, %arg4: memref<4096x128xf32, #tpu.memory_space<hbm>>, %arg5: memref<25600xi32, #tpu.memory_space<vmem>>, %arg6: memref<3x200x128xf32, #tpu.memory_space<vmem>>, %arg7: memref<128x128xf32, #tpu.memory_space<vmem>>, %arg8: memref<!tpu.dma_semaphore, #tpu.memory_space<semaphore_mem>>, %arg9: memref<!tpu.dma_semaphore, #tpu.memory_space<semaphore_mem>>, %arg10: memref<!tpu.dma_semaphore, #tpu.memory_space<semaphore_mem>>, %arg11: memref<!tpu.dma_semaphore, #tpu.memory_space<semaphore_mem>>) attributes {dimension_semantics = [#tpu.dimension_semantics<core_parallel>, #tpu.dimension_semantics<subcore_parallel>], iteration_bounds = array<i64: 2, 16>, scalar_prefetch = 0 : i64, scratch_operands = 7 : i64, tpu.core_type = #tpu.core_type<sc_vector_subcore>, window_params = [{transform_indices = #map}, {transform_indices = #map1}, {transform_indices = #map}]} {
    %mul3A = arith.constant 2 : i32
    %mul3A_0 = arith.muli %arg1, %mul3A : i32
    %add3A = arith.addi %mul3A_0, %arg0 : i32
    %mul3A_1 = arith.constant 25600 : i32
    %mul3A_2 = arith.muli %add3A, %mul3A_1 : i32
    %multiple_of3A = tpu.assume_multiple %mul3A_2, 8 : i32
    "tpu.region"() ({
      %run_scoped3A = tpu.sem_alloc : memref<!tpu.dma_semaphore, #tpu.memory_space<semaphore_mem>>
      %dma_start3A_82 = tpu.memref_slice %arg3[%multiple_of3A] : memref<819200xi32, #tpu.memory_space<hbm>> -> memref<25600xi32, #tpu.memory_space<hbm>>
      %dma_start3A_83 = tpu.memref_slice %arg3[%multiple_of3A] : memref<819200xi32, #tpu.memory_space<hbm>> -> memref<25600xi32, #tpu.memory_space<hbm>>
      tpu.enqueue_dma source(%dma_start3A_83 : memref<25600xi32, #tpu.memory_space<hbm>>) target(%arg5 : memref<25600xi32, #tpu.memory_space<vmem>>) target_semaphore(%run_scoped3A : memref<!tpu.dma_semaphore, #tpu.memory_space<semaphore_mem>>)
      %dma_wait3A_84 = tpu.memref_slice %arg3[%multiple_of3A] : memref<819200xi32, #tpu.memory_space<hbm>> -> memref<25600xi32, #tpu.memory_space<hbm>>
      %dma_wait3A_85 = tpu.memref_slice %arg3[%multiple_of3A] : memref<819200xi32, #tpu.memory_space<hbm>> -> memref<25600xi32, #tpu.memory_space<hbm>>
      tpu.wait_dma2 semaphore(%run_scoped3A : memref<!tpu.dma_semaphore, #tpu.memory_space<semaphore_mem>>) src(%dma_wait3A_85 : memref<25600xi32, #tpu.memory_space<hbm>>) dst(%arg5 : memref<25600xi32, #tpu.memory_space<vmem>>)
      tpu.yield
    }) : () -> ()
    %multiple_of3A_3 = arith.constant 0 : i32
    %multiple_of3A_4 = tpu.assume_multiple %multiple_of3A_3, 8 : i32
    %dma_start3A = arith.constant 0 : i32
    %dma_start3A_5 = arith.constant 0 : i32
    %dma_start3A_6 = arith.constant 0 : i32
    %dma_start3A_7 = tpu.memref_slice %arg6[%dma_start3A, %dma_start3A_5, %dma_start3A_6] : memref<3x200x128xf32, #tpu.memory_space<vmem>> -> memref<1x104x128xf32, #tpu.memory_space<vmem>>
    %dma_start3A_8 = tpu.memref_squeeze %dma_start3A_7 : memref<1x104x128xf32, #tpu.memory_space<vmem>> -> memref<104x128xf32, #tpu.memory_space<vmem>>
    %dma_start3A_9 = tpu.memref_slice %arg5[%multiple_of3A_4] : memref<25600xi32, #tpu.memory_space<vmem>> -> memref<104xi32, #tpu.memory_space<vmem>>
    %dma_start3A_10 = arith.constant 0 : i32
    %dma_start3A_11 = arith.constant 0 : i32
    %dma_start3A_12 = tpu.memref_slice %arg2[%dma_start3A_10, %dma_start3A_11] : memref<100000x128xf32, #tpu.memory_space<hbm>> -> memref<100000x128xf32, #tpu.memory_space<hbm>>
    tpu.enqueue_indirect_dma source(%dma_start3A_12 : memref<100000x128xf32, #tpu.memory_space<hbm>>) target(%dma_start3A_8 : memref<104x128xf32, #tpu.memory_space<vmem>>) offsets(%dma_start3A_9 : memref<104xi32, #tpu.memory_space<vmem>>) semaphore(%arg8 : memref<!tpu.dma_semaphore, #tpu.memory_space<semaphore_mem>>)
    %multiple_of3A_13 = arith.constant 104 : i32
    %multiple_of3A_14 = tpu.assume_multiple %multiple_of3A_13, 8 : i32
    %dma_start3A_15 = arith.constant 0 : i32
    %dma_start3A_16 = arith.constant 104 : i32
    %dma_start3A_17 = arith.constant 0 : i32
    %dma_start3A_18 = tpu.memref_slice %arg6[%dma_start3A_15, %dma_start3A_16, %dma_start3A_17] : memref<3x200x128xf32, #tpu.memory_space<vmem>> -> memref<1x96x128xf32, #tpu.memory_space<vmem>>
    %dma_start3A_19 = tpu.memref_squeeze %dma_start3A_18 : memref<1x96x128xf32, #tpu.memory_space<vmem>> -> memref<96x128xf32, #tpu.memory_space<vmem>>
    %dma_start3A_20 = tpu.memref_slice %arg5[%multiple_of3A_14] : memref<25600xi32, #tpu.memory_space<vmem>> -> memref<96xi32, #tpu.memory_space<vmem>>
    %dma_start3A_21 = arith.constant 0 : i32
    %dma_start3A_22 = arith.constant 0 : i32
    %dma_start3A_23 = tpu.memref_slice %arg2[%dma_start3A_21, %dma_start3A_22] : memref<100000x128xf32, #tpu.memory_space<hbm>> -> memref<100000x128xf32, #tpu.memory_space<hbm>>
    tpu.enqueue_indirect_dma source(%dma_start3A_23 : memref<100000x128xf32, #tpu.memory_space<hbm>>) target(%dma_start3A_19 : memref<96x128xf32, #tpu.memory_space<vmem>>) offsets(%dma_start3A_20 : memref<96xi32, #tpu.memory_space<vmem>>) semaphore(%arg8 : memref<!tpu.dma_semaphore, #tpu.memory_space<semaphore_mem>>)
    %multiple_of3A_24 = arith.constant 200 : i32
    %multiple_of3A_25 = tpu.assume_multiple %multiple_of3A_24, 8 : i32
    %dma_start3A_26 = arith.constant 1 : i32
    %dma_start3A_27 = arith.constant 0 : i32
    %dma_start3A_28 = arith.constant 0 : i32
    %dma_start3A_29 = tpu.memref_slice %arg6[%dma_start3A_26, %dma_start3A_27, %dma_start3A_28] : memref<3x200x128xf32, #tpu.memory_space<vmem>> -> memref<1x104x128xf32, #tpu.memory_space<vmem>>
    %dma_start3A_30 = tpu.memref_squeeze %dma_start3A_29 : memref<1x104x128xf32, #tpu.memory_space<vmem>> -> memref<104x128xf32, #tpu.memory_space<vmem>>
    %dma_start3A_31 = tpu.memref_slice %arg5[%multiple_of3A_25] : memref<25600xi32, #tpu.memory_space<vmem>> -> memref<104xi32, #tpu.memory_space<vmem>>
    %dma_start3A_32 = arith.constant 0 : i32
    %dma_start3A_33 = arith.constant 0 : i32
    %dma_start3A_34 = tpu.memref_slice %arg2[%dma_start3A_32, %dma_start3A_33] : memref<100000x128xf32, #tpu.memory_space<hbm>> -> memref<100000x128xf32, #tpu.memory_space<hbm>>
    tpu.enqueue_indirect_dma source(%dma_start3A_34 : memref<100000x128xf32, #tpu.memory_space<hbm>>) target(%dma_start3A_30 : memref<104x128xf32, #tpu.memory_space<vmem>>) offsets(%dma_start3A_31 : memref<104xi32, #tpu.memory_space<vmem>>) semaphore(%arg9 : memref<!tpu.dma_semaphore, #tpu.memory_space<semaphore_mem>>)
    %multiple_of3A_35 = arith.constant 304 : i32
    %multiple_of3A_36 = tpu.assume_multiple %multiple_of3A_35, 8 : i32
    %dma_start3A_37 = arith.constant 1 : i32
    %dma_start3A_38 = arith.constant 104 : i32
    %dma_start3A_39 = arith.constant 0 : i32
    %dma_start3A_40 = tpu.memref_slice %arg6[%dma_start3A_37, %dma_start3A_38, %dma_start3A_39] : memref<3x200x128xf32, #tpu.memory_space<vmem>> -> memref<1x96x128xf32, #tpu.memory_space<vmem>>
    %dma_start3A_41 = tpu.memref_squeeze %dma_start3A_40 : memref<1x96x128xf32, #tpu.memory_space<vmem>> -> memref<96x128xf32, #tpu.memory_space<vmem>>
    %dma_start3A_42 = tpu.memref_slice %arg5[%multiple_of3A_36] : memref<25600xi32, #tpu.memory_space<vmem>> -> memref<96xi32, #tpu.memory_space<vmem>>
    %dma_start3A_43 = arith.constant 0 : i32
    %dma_start3A_44 = arith.constant 0 : i32
    %dma_start3A_45 = tpu.memref_slice %arg2[%dma_start3A_43, %dma_start3A_44] : memref<100000x128xf32, #tpu.memory_space<hbm>> -> memref<100000x128xf32, #tpu.memory_space<hbm>>
    tpu.enqueue_indirect_dma source(%dma_start3A_45 : memref<100000x128xf32, #tpu.memory_space<hbm>>) target(%dma_start3A_41 : memref<96x128xf32, #tpu.memory_space<vmem>>) offsets(%dma_start3A_42 : memref<96xi32, #tpu.memory_space<vmem>>) semaphore(%arg9 : memref<!tpu.dma_semaphore, #tpu.memory_space<semaphore_mem>>)
    %multiple_of3A_46 = arith.constant 400 : i32
    %multiple_of3A_47 = tpu.assume_multiple %multiple_of3A_46, 8 : i32
    %dma_start3A_48 = arith.constant 2 : i32
    %dma_start3A_49 = arith.constant 0 : i32
    %dma_start3A_50 = arith.constant 0 : i32
    %dma_start3A_51 = tpu.memref_slice %arg6[%dma_start3A_48, %dma_start3A_49, %dma_start3A_50] : memref<3x200x128xf32, #tpu.memory_space<vmem>> -> memref<1x104x128xf32, #tpu.memory_space<vmem>>
    %dma_start3A_52 = tpu.memref_squeeze %dma_start3A_51 : memref<1x104x128xf32, #tpu.memory_space<vmem>> -> memref<104x128xf32, #tpu.memory_space<vmem>>
    %dma_start3A_53 = tpu.memref_slice %arg5[%multiple_of3A_47] : memref<25600xi32, #tpu.memory_space<vmem>> -> memref<104xi32, #tpu.memory_space<vmem>>
    %dma_start3A_54 = arith.constant 0 : i32
    %dma_start3A_55 = arith.constant 0 : i32
    %dma_start3A_56 = tpu.memref_slice %arg2[%dma_start3A_54, %dma_start3A_55] : memref<100000x128xf32, #tpu.memory_space<hbm>> -> memref<100000x128xf32, #tpu.memory_space<hbm>>
    tpu.enqueue_indirect_dma source(%dma_start3A_56 : memref<100000x128xf32, #tpu.memory_space<hbm>>) target(%dma_start3A_52 : memref<104x128xf32, #tpu.memory_space<vmem>>) offsets(%dma_start3A_53 : memref<104xi32, #tpu.memory_space<vmem>>) semaphore(%arg10 : memref<!tpu.dma_semaphore, #tpu.memory_space<semaphore_mem>>)
    %multiple_of3A_57 = arith.constant 504 : i32
    %multiple_of3A_58 = tpu.assume_multiple %multiple_of3A_57, 8 : i32
    %dma_start3A_59 = arith.constant 2 : i32
    %dma_start3A_60 = arith.constant 104 : i32
    %dma_start3A_61 = arith.constant 0 : i32
    %dma_start3A_62 = tpu.memref_slice %arg6[%dma_start3A_59, %dma_start3A_60, %dma_start3A_61] : memref<3x200x128xf32, #tpu.memory_space<vmem>> -> memref<1x96x128xf32, #tpu.memory_space<vmem>>
    %dma_start3A_63 = tpu.memref_squeeze %dma_start3A_62 : memref<1x96x128xf32, #tpu.memory_space<vmem>> -> memref<96x128xf32, #tpu.memory_space<vmem>>
    %dma_start3A_64 = tpu.memref_slice %arg5[%multiple_of3A_58] : memref<25600xi32, #tpu.memory_space<vmem>> -> memref<96xi32, #tpu.memory_space<vmem>>
    %dma_start3A_65 = arith.constant 0 : i32
    %dma_start3A_66 = arith.constant 0 : i32
    %dma_start3A_67 = tpu.memref_slice %arg2[%dma_start3A_65, %dma_start3A_66] : memref<100000x128xf32, #tpu.memory_space<hbm>> -> memref<100000x128xf32, #tpu.memory_space<hbm>>
    tpu.enqueue_indirect_dma source(%dma_start3A_67 : memref<100000x128xf32, #tpu.memory_space<hbm>>) target(%dma_start3A_63 : memref<96x128xf32, #tpu.memory_space<vmem>>) offsets(%dma_start3A_64 : memref<96xi32, #tpu.memory_space<vmem>>) semaphore(%arg10 : memref<!tpu.dma_semaphore, #tpu.memory_space<semaphore_mem>>)
    %scan3A = arith.constant 0 : i32
    %scan3A_68 = arith.constant 43 : i32
    %scan3A_69 = arith.addi %scan3A, %scan3A_68 : i32
    %scan3A_70 = arith.constant 1 : i32
    scf.for %scan3A_82 = %scan3A to %scan3A_69 step %scan3A_70  : i32 {
      %mul3A_83 = arith.constant 3 : i32
      %mul3A_84 = arith.muli %scan3A_82, %mul3A_83 : i32
      %add3A_85 = arith.constant 0 : i32
      %add3A_86 = arith.addi %add3A_85, %mul3A_84 : i32
      %add3A_87 = arith.constant 0 : i32
      %add3A_88 = arith.addi %add3A_86, %add3A_87 : i32
      %lt3A = arith.constant 128 : i32
      %lt3A_89 = arith.cmpi slt, %add3A_88, %lt3A : i32
      %convert_element_type3A = arith.extui %lt3A_89 : i1 to i32
      %cond3A = arith.constant 0 : i32
      %cond3A_90 = arith.cmpi ne, %convert_element_type3A, %cond3A : i32
      scf.if %cond3A_90 {
        %dma_wait3A_105 = arith.constant 0 : i32
        %dma_wait3A_106 = arith.constant 0 : i32
        %dma_wait3A_107 = arith.constant 0 : i32
        %dma_wait3A_108 = tpu.memref_slice %arg6[%dma_wait3A_105, %dma_wait3A_106, %dma_wait3A_107] : memref<3x200x128xf32, #tpu.memory_space<vmem>> -> memref<1x200x128xf32, #tpu.memory_space<vmem>>
        %dma_wait3A_109 = tpu.memref_squeeze %dma_wait3A_108 : memref<1x200x128xf32, #tpu.memory_space<vmem>> -> memref<200x128xf32, #tpu.memory_space<vmem>>
        %dma_wait3A_110 = arith.constant 0 : i32
        %dma_wait3A_111 = arith.constant 0 : i32
        %dma_wait3A_112 = tpu.memref_slice %arg2[%dma_wait3A_110, %dma_wait3A_111] : memref<100000x128xf32, #tpu.memory_space<hbm>> -> memref<200x128xf32, #tpu.memory_space<hbm>>
        %dma_wait3A_113 = arith.constant 0 : i32
        %dma_wait3A_114 = arith.constant 0 : i32
        %dma_wait3A_115 = tpu.memref_slice %arg6[%dma_wait3A_105, %dma_wait3A_113, %dma_wait3A_114] : memref<3x200x128xf32, #tpu.memory_space<vmem>> -> memref<1x200x128xf32, #tpu.memory_space<vmem>>
        %dma_wait3A_116 = tpu.memref_squeeze %dma_wait3A_115 : memref<1x200x128xf32, #tpu.memory_space<vmem>> -> memref<200x128xf32, #tpu.memory_space<vmem>>
        %dma_wait3A_117 = arith.constant 0 : i32
        %dma_wait3A_118 = arith.constant 0 : i32
        %dma_wait3A_119 = tpu.memref_slice %arg2[%dma_wait3A_117, %dma_wait3A_118] : memref<100000x128xf32, #tpu.memory_space<hbm>> -> memref<200x128xf32, #tpu.memory_space<hbm>>
        tpu.wait_dma2 semaphore(%arg8 : memref<!tpu.dma_semaphore, #tpu.memory_space<semaphore_mem>>) src(%dma_wait3A_119 : memref<200x128xf32, #tpu.memory_space<hbm>>) dst(%dma_wait3A_116 : memref<200x128xf32, #tpu.memory_space<vmem>>)
        %broadcast_in_dim3A = arith.constant 0.000000e+00 : f32
        %broadcast_in_dim3A_120 = vector.broadcast %broadcast_in_dim3A : f32 to vector<16xf32>
        %broadcast_in_dim3A_121 = arith.constant 0.000000e+00 : f32
        %broadcast_in_dim3A_122 = vector.broadcast %broadcast_in_dim3A_121 : f32 to vector<16xf32>
        %broadcast_in_dim3A_123 = arith.constant 0.000000e+00 : f32
        %broadcast_in_dim3A_124 = vector.broadcast %broadcast_in_dim3A_123 : f32 to vector<16xf32>
        %broadcast_in_dim3A_125 = arith.constant 0.000000e+00 : f32
        %broadcast_in_dim3A_126 = vector.broadcast %broadcast_in_dim3A_125 : f32 to vector<16xf32>
        %broadcast_in_dim3A_127 = arith.constant 0.000000e+00 : f32
        %broadcast_in_dim3A_128 = vector.broadcast %broadcast_in_dim3A_127 : f32 to vector<16xf32>
        %broadcast_in_dim3A_129 = arith.constant 0.000000e+00 : f32
        %broadcast_in_dim3A_130 = vector.broadcast %broadcast_in_dim3A_129 : f32 to vector<16xf32>
        %broadcast_in_dim3A_131 = arith.constant 0.000000e+00 : f32
        %broadcast_in_dim3A_132 = vector.broadcast %broadcast_in_dim3A_131 : f32 to vector<16xf32>
        %broadcast_in_dim3A_133 = arith.constant 0.000000e+00 : f32
        %broadcast_in_dim3A_134 = vector.broadcast %broadcast_in_dim3A_133 : f32 to vector<16xf32>
        %parallel_loop3A = arith.constant 0 : i32
        %parallel_loop3A_135 = arith.constant 200 : i32
        %parallel_loop3A_136 = arith.constant 1 : i32
        %parallel_loop3A_137:8 = scf.for %parallel_loop3A_208 = %parallel_loop3A to %parallel_loop3A_135 step %parallel_loop3A_136 iter_args(%parallel_loop3A_209 = %broadcast_in_dim3A_120, %parallel_loop3A_210 = %broadcast_in_dim3A_122, %parallel_loop3A_211 = %broadcast_in_dim3A_124, %parallel_loop3A_212 = %broadcast_in_dim3A_126, %parallel_loop3A_213 = %broadcast_in_dim3A_128, %parallel_loop3A_214 = %broadcast_in_dim3A_130, %parallel_loop3A_215 = %broadcast_in_dim3A_132, %parallel_loop3A_216 = %broadcast_in_dim3A_134) -> (vector<16xf32>, vector<16xf32>, vector<16xf32>, vector<16xf32>, vector<16xf32>, vector<16xf32>, vector<16xf32>, vector<16xf32>)  : i32 {
          %parallel_loop3A_217 = arith.constant 0 : i32
          %parallel_loop3A_218 = arith.index_cast %parallel_loop3A_217 : i32 to index
          %parallel_loop3A_219 = arith.index_cast %parallel_loop3A_208 : i32 to index
          %parallel_loop3A_220 = arith.constant 0 : index
          %parallel_loop3A_221 = tpu.vector_load %arg6[%parallel_loop3A_218, %parallel_loop3A_219, %parallel_loop3A_220] {strides = array<i32>} : memref<3x200x128xf32, #tpu.memory_space<vmem>>, vector<1x1x16xf32>,
          %parallel_loop3A_222 = vector.shape_cast %parallel_loop3A_221 : vector<1x1x16xf32> to vector<16xf32>
          %parallel_loop3A_223 = arith.addf %parallel_loop3A_209, %parallel_loop3A_222 : vector<16xf32>
          %parallel_loop3A_224 = arith.constant 0 : i32
          %parallel_loop3A_225 = arith.index_cast %parallel_loop3A_224 : i32 to index
          %parallel_loop3A_226 = arith.index_cast %parallel_loop3A_208 : i32 to index
          %parallel_loop3A_227 = arith.constant 16 : index
          %parallel_loop3A_228 = tpu.vector_load %arg6[%parallel_loop3A_225, %parallel_loop3A_226, %parallel_loop3A_227] {strides = array<i32>} : memref<3x200x128xf32, #tpu.memory_space<vmem>>, vector<1x1x16xf32>,
          %parallel_loop3A_229 = vector.shape_cast %parallel_loop3A_228 : vector<1x1x16xf32> to vector<16xf32>
          %parallel_loop3A_230 = arith.addf %parallel_loop3A_210, %parallel_loop3A_229 : vector<16xf32>
          %parallel_loop3A_231 = arith.constant 0 : i32
          %parallel_loop3A_232 = arith.index_cast %parallel_loop3A_231 : i32 to index
          %parallel_loop3A_233 = arith.index_cast %parallel_loop3A_208 : i32 to index
          %parallel_loop3A_234 = arith.constant 32 : index
          %parallel_loop3A_235 = tpu.vector_load %arg6[%parallel_loop3A_232, %parallel_loop3A_233, %parallel_loop3A_234] {strides = array<i32>} : memref<3x200x128xf32, #tpu.memory_space<vmem>>, vector<1x1x16xf32>,
          %parallel_loop3A_236 = vector.shape_cast %parallel_loop3A_235 : vector<1x1x16xf32> to vector<16xf32>
          %parallel_loop3A_237 = arith.addf %parallel_loop3A_211, %parallel_loop3A_236 : vector<16xf32>
          %parallel_loop3A_238 = arith.constant 0 : i32
          %parallel_loop3A_239 = arith.index_cast %parallel_loop3A_238 : i32 to index
          %parallel_loop3A_240 = arith.index_cast %parallel_loop3A_208 : i32 to index
          %parallel_loop3A_241 = arith.constant 48 : index
          %parallel_loop3A_242 = tpu.vector_load %arg6[%parallel_loop3A_239, %parallel_loop3A_240, %parallel_loop3A_241] {strides = array<i32>} : memref<3x200x128xf32, #tpu.memory_space<vmem>>, vector<1x1x16xf32>,
          %parallel_loop3A_243 = vector.shape_cast %parallel_loop3A_242 : vector<1x1x16xf32> to vector<16xf32>
          %parallel_loop3A_244 = arith.addf %parallel_loop3A_212, %parallel_loop3A_243 : vector<16xf32>
          %parallel_loop3A_245 = arith.constant 0 : i32
          %parallel_loop3A_246 = arith.index_cast %parallel_loop3A_245 : i32 to index
          %parallel_loop3A_247 = arith.index_cast %parallel_loop3A_208 : i32 to index
          %parallel_loop3A_248 = arith.constant 64 : index
          %parallel_loop3A_249 = tpu.vector_load %arg6[%parallel_loop3A_246, %parallel_loop3A_247, %parallel_loop3A_248] {strides = array<i32>} : memref<3x200x128xf32, #tpu.memory_space<vmem>>, vector<1x1x16xf32>,
          %parallel_loop3A_250 = vector.shape_cast %parallel_loop3A_249 : vector<1x1x16xf32> to vector<16xf32>
          %parallel_loop3A_251 = arith.addf %parallel_loop3A_213, %parallel_loop3A_250 : vector<16xf32>
          %parallel_loop3A_252 = arith.constant 0 : i32
          %parallel_loop3A_253 = arith.index_cast %parallel_loop3A_252 : i32 to index
          %parallel_loop3A_254 = arith.index_cast %parallel_loop3A_208 : i32 to index
          %parallel_loop3A_255 = arith.constant 80 : index
          %parallel_loop3A_256 = tpu.vector_load %arg6[%parallel_loop3A_253, %parallel_loop3A_254, %parallel_loop3A_255] {strides = array<i32>} : memref<3x200x128xf32, #tpu.memory_space<vmem>>, vector<1x1x16xf32>,
          %parallel_loop3A_257 = vector.shape_cast %parallel_loop3A_256 : vector<1x1x16xf32> to vector<16xf32>
          %parallel_loop3A_258 = arith.addf %parallel_loop3A_214, %parallel_loop3A_257 : vector<16xf32>
          %parallel_loop3A_259 = arith.constant 0 : i32
          %parallel_loop3A_260 = arith.index_cast %parallel_loop3A_259 : i32 to index
          %parallel_loop3A_261 = arith.index_cast %parallel_loop3A_208 : i32 to index
          %parallel_loop3A_262 = arith.constant 96 : index
          %parallel_loop3A_263 = tpu.vector_load %arg6[%parallel_loop3A_260, %parallel_loop3A_261, %parallel_loop3A_262] {strides = array<i32>} : memref<3x200x128xf32, #tpu.memory_space<vmem>>, vector<1x1x16xf32>,
          %parallel_loop3A_264 = vector.shape_cast %parallel_loop3A_263 : vector<1x1x16xf32> to vector<16xf32>
          %parallel_loop3A_265 = arith.addf %parallel_loop3A_215, %parallel_loop3A_264 : vector<16xf32>
          %parallel_loop3A_266 = arith.constant 0 : i32
          %parallel_loop3A_267 = arith.index_cast %parallel_loop3A_266 : i32 to index
          %parallel_loop3A_268 = arith.index_cast %parallel_loop3A_208 : i32 to index
          %parallel_loop3A_269 = arith.constant 112 : index
          %parallel_loop3A_270 = tpu.vector_load %arg6[%parallel_loop3A_267, %parallel_loop3A_268, %parallel_loop3A_269] {strides = array<i32>} : memref<3x200x128xf32, #tpu.memory_space<vmem>>, vector<1x1x16xf32>,
          %parallel_loop3A_271 = vector.shape_cast %parallel_loop3A_270 : vector<1x1x16xf32> to vector<16xf32>
          %parallel_loop3A_272 = arith.addf %parallel_loop3A_216, %parallel_loop3A_271 : vector<16xf32>
          scf.yield %parallel_loop3A_223, %parallel_loop3A_230, %parallel_loop3A_237, %parallel_loop3A_244, %parallel_loop3A_251, %parallel_loop3A_258, %parallel_loop3A_265, %parallel_loop3A_272 : vector<16xf32>, vector<16xf32>, vector<16xf32>, vector<16xf32>, vector<16xf32>, vector<16xf32>, vector<16xf32>, vector<16xf32>
        } {sc.loop_unroll_factor = 4 : i64, sc.parallel_access}
        %mul3A_138 = arith.constant 5.000000e-03 : f32
        %mul3A_139 = vector.broadcast %mul3A_138 : f32 to vector<16xf32>
        %mul3A_140 = arith.mulf %parallel_loop3A_137#0, %mul3A_139 : vector<16xf32>
        %swap3A = arith.index_cast %add3A_88 : i32 to index
        %swap3A_141 = arith.constant 0 : index
        %swap3A_142 = tpu.vector_load %arg7[%swap3A, %swap3A_141] {strides = array<i32>} : memref<128x128xf32, #tpu.memory_space<vmem>>, vector<1x16xf32>,
        %swap3A_143 = vector.shape_cast %swap3A_142 : vector<1x16xf32> to vector<16xf32>
        %swap3A_144 = vector.shape_cast %mul3A_140 : vector<16xf32> to vector<1x16xf32>
        tpu.vector_store %arg7[%swap3A, %swap3A_141], %swap3A_144 {strides = array<i32>} : memref<128x128xf32, #tpu.memory_space<vmem>>, vector<1x16xf32>,
        %mul3A_145 = arith.constant 5.000000e-03 : f32
        %mul3A_146 = vector.broadcast %mul3A_145 : f32 to vector<16xf32>
        %mul3A_147 = arith.mulf %parallel_loop3A_137#1, %mul3A_146 : vector<16xf32>
        %swap3A_148 = arith.index_cast %add3A_88 : i32 to index
        %swap3A_149 = arith.constant 16 : index
        %swap3A_150 = tpu.vector_load %arg7[%swap3A_148, %swap3A_149] {strides = array<i32>} : memref<128x128xf32, #tpu.memory_space<vmem>>, vector<1x16xf32>,
        %swap3A_151 = vector.shape_cast %swap3A_150 : vector<1x16xf32> to vector<16xf32>
        %swap3A_152 = vector.shape_cast %mul3A_147 : vector<16xf32> to vector<1x16xf32>
        tpu.vector_store %arg7[%swap3A_148, %swap3A_149], %swap3A_152 {strides = array<i32>} : memref<128x128xf32, #tpu.memory_space<vmem>>, vector<1x16xf32>,
        %mul3A_153 = arith.constant 5.000000e-03 : f32
        %mul3A_154 = vector.broadcast %mul3A_153 : f32 to vector<16xf32>
        %mul3A_155 = arith.mulf %parallel_loop3A_137#2, %mul3A_154 : vector<16xf32>
        %swap3A_156 = arith.index_cast %add3A_88 : i32 to index
        %swap3A_157 = arith.constant 32 : index
        %swap3A_158 = tpu.vector_load %arg7[%swap3A_156, %swap3A_157] {strides = array<i32>} : memref<128x128xf32, #tpu.memory_space<vmem>>, vector<1x16xf32>,
        %swap3A_159 = vector.shape_cast %swap3A_158 : vector<1x16xf32> to vector<16xf32>
        %swap3A_160 = vector.shape_cast %mul3A_155 : vector<16xf32> to vector<1x16xf32>
        tpu.vector_store %arg7[%swap3A_156, %swap3A_157], %swap3A_160 {strides = array<i32>} : memref<128x128xf32, #tpu.memory_space<vmem>>, vector<1x16xf32>,
        %mul3A_161 = arith.constant 5.000000e-03 : f32
        %mul3A_162 = vector.broadcast %mul3A_161 : f32 to vector<16xf32>
        %mul3A_163 = arith.mulf %parallel_loop3A_137#3, %mul3A_162 : vector<16xf32>
        %swap3A_164 = arith.index_cast %add3A_88 : i32 to index
        %swap3A_165 = arith.constant 48 : index
        %swap3A_166 = tpu.vector_load %arg7[%swap3A_164, %swap3A_165] {strides = array<i32>} : memref<128x128xf32, #tpu.memory_space<vmem>>, vector<1x16xf32>,
        %swap3A_167 = vector.shape_cast %swap3A_166 : vector<1x16xf32> to vector<16xf32>
        %swap3A_168 = vector.shape_cast %mul3A_163 : vector<16xf32> to vector<1x16xf32>
        tpu.vector_store %arg7[%swap3A_164, %swap3A_165], %swap3A_168 {strides = array<i32>} : memref<128x128xf32, #tpu.memory_space<vmem>>, vector<1x16xf32>,
        %mul3A_169 = arith.constant 5.000000e-03 : f32
        %mul3A_170 = vector.broadcast %mul3A_169 : f32 to vector<16xf32>
        %mul3A_171 = arith.mulf %parallel_loop3A_137#4, %mul3A_170 : vector<16xf32>
        %swap3A_172 = arith.index_cast %add3A_88 : i32 to index
        %swap3A_173 = arith.constant 64 : index
        %swap3A_174 = tpu.vector_load %arg7[%swap3A_172, %swap3A_173] {strides = array<i32>} : memref<128x128xf32, #tpu.memory_space<vmem>>, vector<1x16xf32>,
        %swap3A_175 = vector.shape_cast %swap3A_174 : vector<1x16xf32> to vector<16xf32>
        %swap3A_176 = vector.shape_cast %mul3A_171 : vector<16xf32> to vector<1x16xf32>
        tpu.vector_store %arg7[%swap3A_172, %swap3A_173], %swap3A_176 {strides = array<i32>} : memref<128x128xf32, #tpu.memory_space<vmem>>, vector<1x16xf32>,
        %mul3A_177 = arith.constant 5.000000e-03 : f32
        %mul3A_178 = vector.broadcast %mul3A_177 : f32 to vector<16xf32>
        %mul3A_179 = arith.mulf %parallel_loop3A_137#5, %mul3A_178 : vector<16xf32>
        %swap3A_180 = arith.index_cast %add3A_88 : i32 to index
        %swap3A_181 = arith.constant 80 : index
        %swap3A_182 = tpu.vector_load %arg7[%swap3A_180, %swap3A_181] {strides = array<i32>} : memref<128x128xf32, #tpu.memory_space<vmem>>, vector<1x16xf32>,
        %swap3A_183 = vector.shape_cast %swap3A_182 : vector<1x16xf32> to vector<16xf32>
        %swap3A_184 = vector.shape_cast %mul3A_179 : vector<16xf32> to vector<1x16xf32>
        tpu.vector_store %arg7[%swap3A_180, %swap3A_181], %swap3A_184 {strides = array<i32>} : memref<128x128xf32, #tpu.memory_space<vmem>>, vector<1x16xf32>,
        %mul3A_185 = arith.constant 5.000000e-03 : f32
        %mul3A_186 = vector.broadcast %mul3A_185 : f32 to vector<16xf32>
        %mul3A_187 = arith.mulf %parallel_loop3A_137#6, %mul3A_186 : vector<16xf32>
        %swap3A_188 = arith.index_cast %add3A_88 : i32 to index
        %swap3A_189 = arith.constant 96 : index
        %swap3A_190 = tpu.vector_load %arg7[%swap3A_188, %swap3A_189] {strides = array<i32>} : memref<128x128xf32, #tpu.memory_space<vmem>>, vector<1x16xf32>,
        %swap3A_191 = vector.shape_cast %swap3A_190 : vector<1x16xf32> to vector<16xf32>
        %swap3A_192 = vector.shape_cast %mul3A_187 : vector<16xf32> to vector<1x16xf32>
        tpu.vector_store %arg7[%swap3A_188, %swap3A_189], %swap3A_192 {strides = array<i32>} : memref<128x128xf32, #tpu.memory_space<vmem>>, vector<1x16xf32>,
        %mul3A_193 = arith.constant 5.000000e-03 : f32
        %mul3A_194 = vector.broadcast %mul3A_193 : f32 to vector<16xf32>
        %mul3A_195 = arith.mulf %parallel_loop3A_137#7, %mul3A_194 : vector<16xf32>
        %swap3A_196 = arith.index_cast %add3A_88 : i32 to index
        %swap3A_197 = arith.constant 112 : index
        %swap3A_198 = tpu.vector_load %arg7[%swap3A_196, %swap3A_197] {strides = array<i32>} : memref<128x128xf32, #tpu.memory_space<vmem>>, vector<1x16xf32>,
        %swap3A_199 = vector.shape_cast %swap3A_198 : vector<1x16xf32> to vector<16xf32>
        %swap3A_200 = vector.shape_cast %mul3A_195 : vector<16xf32> to vector<1x16xf32>
        tpu.vector_store %arg7[%swap3A_196, %swap3A_197], %swap3A_200 {strides = array<i32>} : memref<128x128xf32, #tpu.memory_space<vmem>>, vector<1x16xf32>,
        %add3A_201 = arith.constant 3 : i32
        %add3A_202 = arith.addi %add3A_88, %add3A_201 : i32
        %lt3A_203 = arith.constant 128 : i32
        %lt3A_204 = arith.cmpi slt, %add3A_202, %lt3A_203 : i32
        %convert_element_type3A_205 = arith.extui %lt3A_204 : i1 to i32
        %cond3A_206 = arith.constant 0 : i32
        %cond3A_207 = arith.cmpi ne, %convert_element_type3A_205, %cond3A_206 : i32
        scf.if %cond3A_207 {
          %add3A_208 = arith.constant 3 : i32
          %add3A_209 = arith.addi %add3A_88, %add3A_208 : i32
          %mul3A_210 = arith.constant 200 : i32
          %mul3A_211 = arith.muli %add3A_209, %mul3A_210 : i32
          %multiple_of3A_212 = tpu.assume_multiple %mul3A_211, 8 : i32
          %dma_start3A_213 = arith.constant 0 : i32
          %dma_start3A_214 = arith.constant 0 : i32
          %dma_start3A_215 = arith.constant 0 : i32
          %dma_start3A_216 = tpu.memref_slice %arg6[%dma_start3A_213, %dma_start3A_214, %dma_start3A_215] : memref<3x200x128xf32, #tpu.memory_space<vmem>> -> memref<1x104x128xf32, #tpu.memory_space<vmem>>
          %dma_start3A_217 = tpu.memref_squeeze %dma_start3A_216 : memref<1x104x128xf32, #tpu.memory_space<vmem>> -> memref<104x128xf32, #tpu.memory_space<vmem>>
          %dma_start3A_218 = tpu.memref_slice %arg5[%multiple_of3A_212] : memref<25600xi32, #tpu.memory_space<vmem>> -> memref<104xi32, #tpu.memory_space<vmem>>
          %dma_start3A_219 = arith.constant 0 : i32
          %dma_start3A_220 = arith.constant 0 : i32
          %dma_start3A_221 = tpu.memref_slice %arg2[%dma_start3A_219, %dma_start3A_220] : memref<100000x128xf32, #tpu.memory_space<hbm>> -> memref<100000x128xf32, #tpu.memory_space<hbm>>
          tpu.enqueue_indirect_dma source(%dma_start3A_221 : memref<100000x128xf32, #tpu.memory_space<hbm>>) target(%dma_start3A_217 : memref<104x128xf32, #tpu.memory_space<vmem>>) offsets(%dma_start3A_218 : memref<104xi32, #tpu.memory_space<vmem>>) semaphore(%arg8 : memref<!tpu.dma_semaphore, #tpu.memory_space<semaphore_mem>>)
          %mul3A_222 = arith.constant 200 : i32
          %mul3A_223 = arith.muli %add3A_209, %mul3A_222 : i32
          %add3A_224 = arith.constant 104 : i32
          %add3A_225 = arith.addi %mul3A_223, %add3A_224 : i32
          %multiple_of3A_226 = tpu.assume_multiple %add3A_225, 8 : i32
          %dma_start3A_227 = arith.constant 0 : i32
          %dma_start3A_228 = arith.constant 104 : i32
          %dma_start3A_229 = arith.constant 0 : i32
          %dma_start3A_230 = tpu.memref_slice %arg6[%dma_start3A_227, %dma_start3A_228, %dma_start3A_229] : memref<3x200x128xf32, #tpu.memory_space<vmem>> -> memref<1x96x128xf32, #tpu.memory_space<vmem>>
          %dma_start3A_231 = tpu.memref_squeeze %dma_start3A_230 : memref<1x96x128xf32, #tpu.memory_space<vmem>> -> memref<96x128xf32, #tpu.memory_space<vmem>>
          %dma_start3A_232 = tpu.memref_slice %arg5[%multiple_of3A_226] : memref<25600xi32, #tpu.memory_space<vmem>> -> memref<96xi32, #tpu.memory_space<vmem>>
          %dma_start3A_233 = arith.constant 0 : i32
          %dma_start3A_234 = arith.constant 0 : i32
          %dma_start3A_235 = tpu.memref_slice %arg2[%dma_start3A_233, %dma_start3A_234] : memref<100000x128xf32, #tpu.memory_space<hbm>> -> memref<100000x128xf32, #tpu.memory_space<hbm>>
          tpu.enqueue_indirect_dma source(%dma_start3A_235 : memref<100000x128xf32, #tpu.memory_space<hbm>>) target(%dma_start3A_231 : memref<96x128xf32, #tpu.memory_space<vmem>>) offsets(%dma_start3A_232 : memref<96xi32, #tpu.memory_space<vmem>>) semaphore(%arg8 : memref<!tpu.dma_semaphore, #tpu.memory_space<semaphore_mem>>)
        } else {
        }
      } else {
      }
      %add3A_91 = arith.constant 1 : i32
      %add3A_92 = arith.addi %add3A_86, %add3A_91 : i32
      %lt3A_93 = arith.constant 128 : i32
      %lt3A_94 = arith.cmpi slt, %add3A_92, %lt3A_93 : i32
      %convert_element_type3A_95 = arith.extui %lt3A_94 : i1 to i32
      %cond3A_96 = arith.constant 0 : i32
      %cond3A_97 = arith.cmpi ne, %convert_element_type3A_95, %cond3A_96 : i32
      scf.if %cond3A_97 {
        %dma_wait3A_105 = arith.constant 1 : i32
        %dma_wait3A_106 = arith.constant 0 : i32
        %dma_wait3A_107 = arith.constant 0 : i32
        %dma_wait3A_108 = tpu.memref_slice %arg6[%dma_wait3A_105, %dma_wait3A_106, %dma_wait3A_107] : memref<3x200x128xf32, #tpu.memory_space<vmem>> -> memref<1x200x128xf32, #tpu.memory_space<vmem>>
        %dma_wait3A_109 = tpu.memref_squeeze %dma_wait3A_108 : memref<1x200x128xf32, #tpu.memory_space<vmem>> -> memref<200x128xf32, #tpu.memory_space<vmem>>
        %dma_wait3A_110 = arith.constant 0 : i32
        %dma_wait3A_111 = arith.constant 0 : i32
        %dma_wait3A_112 = tpu.memref_slice %arg2[%dma_wait3A_110, %dma_wait3A_111] : memref<100000x128xf32, #tpu.memory_space<hbm>> -> memref<200x128xf32, #tpu.memory_space<hbm>>
        %dma_wait3A_113 = arith.constant 0 : i32
        %dma_wait3A_114 = arith.constant 0 : i32
        %dma_wait3A_115 = tpu.memref_slice %arg6[%dma_wait3A_105, %dma_wait3A_113, %dma_wait3A_114] : memref<3x200x128xf32, #tpu.memory_space<vmem>> -> memref<1x200x128xf32, #tpu.memory_space<vmem>>
        %dma_wait3A_116 = tpu.memref_squeeze %dma_wait3A_115 : memref<1x200x128xf32, #tpu.memory_space<vmem>> -> memref<200x128xf32, #tpu.memory_space<vmem>>
        %dma_wait3A_117 = arith.constant 0 : i32
        %dma_wait3A_118 = arith.constant 0 : i32
        %dma_wait3A_119 = tpu.memref_slice %arg2[%dma_wait3A_117, %dma_wait3A_118] : memref<100000x128xf32, #tpu.memory_space<hbm>> -> memref<200x128xf32, #tpu.memory_space<hbm>>
        tpu.wait_dma2 semaphore(%arg9 : memref<!tpu.dma_semaphore, #tpu.memory_space<semaphore_mem>>) src(%dma_wait3A_119 : memref<200x128xf32, #tpu.memory_space<hbm>>) dst(%dma_wait3A_116 : memref<200x128xf32, #tpu.memory_space<vmem>>)
        %broadcast_in_dim3A = arith.constant 0.000000e+00 : f32
        %broadcast_in_dim3A_120 = vector.broadcast %broadcast_in_dim3A : f32 to vector<16xf32>
        %broadcast_in_dim3A_121 = arith.constant 0.000000e+00 : f32
        %broadcast_in_dim3A_122 = vector.broadcast %broadcast_in_dim3A_121 : f32 to vector<16xf32>
        %broadcast_in_dim3A_123 = arith.constant 0.000000e+00 : f32
        %broadcast_in_dim3A_124 = vector.broadcast %broadcast_in_dim3A_123 : f32 to vector<16xf32>
        %broadcast_in_dim3A_125 = arith.constant 0.000000e+00 : f32
        %broadcast_in_dim3A_126 = vector.broadcast %broadcast_in_dim3A_125 : f32 to vector<16xf32>
        %broadcast_in_dim3A_127 = arith.constant 0.000000e+00 : f32
        %broadcast_in_dim3A_128 = vector.broadcast %broadcast_in_dim3A_127 : f32 to vector<16xf32>
        %broadcast_in_dim3A_129 = arith.constant 0.000000e+00 : f32
        %broadcast_in_dim3A_130 = vector.broadcast %broadcast_in_dim3A_129 : f32 to vector<16xf32>
        %broadcast_in_dim3A_131 = arith.constant 0.000000e+00 : f32
        %broadcast_in_dim3A_132 = vector.broadcast %broadcast_in_dim3A_131 : f32 to vector<16xf32>
        %broadcast_in_dim3A_133 = arith.constant 0.000000e+00 : f32
        %broadcast_in_dim3A_134 = vector.broadcast %broadcast_in_dim3A_133 : f32 to vector<16xf32>
        %parallel_loop3A = arith.constant 0 : i32
        %parallel_loop3A_135 = arith.constant 200 : i32
        %parallel_loop3A_136 = arith.constant 1 : i32
        %parallel_loop3A_137:8 = scf.for %parallel_loop3A_208 = %parallel_loop3A to %parallel_loop3A_135 step %parallel_loop3A_136 iter_args(%parallel_loop3A_209 = %broadcast_in_dim3A_120, %parallel_loop3A_210 = %broadcast_in_dim3A_122, %parallel_loop3A_211 = %broadcast_in_dim3A_124, %parallel_loop3A_212 = %broadcast_in_dim3A_126, %parallel_loop3A_213 = %broadcast_in_dim3A_128, %parallel_loop3A_214 = %broadcast_in_dim3A_130, %parallel_loop3A_215 = %broadcast_in_dim3A_132, %parallel_loop3A_216 = %broadcast_in_dim3A_134) -> (vector<16xf32>, vector<16xf32>, vector<16xf32>, vector<16xf32>, vector<16xf32>, vector<16xf32>, vector<16xf32>, vector<16xf32>)  : i32 {
          %parallel_loop3A_217 = arith.constant 1 : i32
          %parallel_loop3A_218 = arith.index_cast %parallel_loop3A_217 : i32 to index
          %parallel_loop3A_219 = arith.index_cast %parallel_loop3A_208 : i32 to index
          %parallel_loop3A_220 = arith.constant 0 : index
          %parallel_loop3A_221 = tpu.vector_load %arg6[%parallel_loop3A_218, %parallel_loop3A_219, %parallel_loop3A_220] {strides = array<i32>} : memref<3x200x128xf32, #tpu.memory_space<vmem>>, vector<1x1x16xf32>,
          %parallel_loop3A_222 = vector.shape_cast %parallel_loop3A_221 : vector<1x1x16xf32> to vector<16xf32>
          %parallel_loop3A_223 = arith.addf %parallel_loop3A_209, %parallel_loop3A_222 : vector<16xf32>
          %parallel_loop3A_224 = arith.constant 1 : i32
          %parallel_loop3A_225 = arith.index_cast %parallel_loop3A_224 : i32 to index
          %parallel_loop3A_226 = arith.index_cast %parallel_loop3A_208 : i32 to index
          %parallel_loop3A_227 = arith.constant 16 : index
          %parallel_loop3A_228 = tpu.vector_load %arg6[%parallel_loop3A_225, %parallel_loop3A_226, %parallel_loop3A_227] {strides = array<i32>} : memref<3x200x128xf32, #tpu.memory_space<vmem>>, vector<1x1x16xf32>,
          %parallel_loop3A_229 = vector.shape_cast %parallel_loop3A_228 : vector<1x1x16xf32> to vector<16xf32>
          %parallel_loop3A_230 = arith.addf %parallel_loop3A_210, %parallel_loop3A_229 : vector<16xf32>
          %parallel_loop3A_231 = arith.constant 1 : i32
          %parallel_loop3A_232 = arith.index_cast %parallel_loop3A_231 : i32 to index
          %parallel_loop3A_233 = arith.index_cast %parallel_loop3A_208 : i32 to index
          %parallel_loop3A_234 = arith.constant 32 : index
          %parallel_loop3A_235 = tpu.vector_load %arg6[%parallel_loop3A_232, %parallel_loop3A_233, %parallel_loop3A_234] {strides = array<i32>} : memref<3x200x128xf32, #tpu.memory_space<vmem>>, vector<1x1x16xf32>,
          %parallel_loop3A_236 = vector.shape_cast %parallel_loop3A_235 : vector<1x1x16xf32> to vector<16xf32>
          %parallel_loop3A_237 = arith.addf %parallel_loop3A_211, %parallel_loop3A_236 : vector<16xf32>
          %parallel_loop3A_238 = arith.constant 1 : i32
          %parallel_loop3A_239 = arith.index_cast %parallel_loop3A_238 : i32 to index
          %parallel_loop3A_240 = arith.index_cast %parallel_loop3A_208 : i32 to index
          %parallel_loop3A_241 = arith.constant 48 : index
          %parallel_loop3A_242 = tpu.vector_load %arg6[%parallel_loop3A_239, %parallel_loop3A_240, %parallel_loop3A_241] {strides = array<i32>} : memref<3x200x128xf32, #tpu.memory_space<vmem>>, vector<1x1x16xf32>,
          %parallel_loop3A_243 = vector.shape_cast %parallel_loop3A_242 : vector<1x1x16xf32> to vector<16xf32>
          %parallel_loop3A_244 = arith.addf %parallel_loop3A_212, %parallel_loop3A_243 : vector<16xf32>
          %parallel_loop3A_245 = arith.constant 1 : i32
          %parallel_loop3A_246 = arith.index_cast %parallel_loop3A_245 : i32 to index
          %parallel_loop3A_247 = arith.index_cast %parallel_loop3A_208 : i32 to index
          %parallel_loop3A_248 = arith.constant 64 : index
          %parallel_loop3A_249 = tpu.vector_load %arg6[%parallel_loop3A_246, %parallel_loop3A_247, %parallel_loop3A_248] {strides = array<i32>} : memref<3x200x128xf32, #tpu.memory_space<vmem>>, vector<1x1x16xf32>,
          %parallel_loop3A_250 = vector.shape_cast %parallel_loop3A_249 : vector<1x1x16xf32> to vector<16xf32>
          %parallel_loop3A_251 = arith.addf %parallel_loop3A_213, %parallel_loop3A_250 : vector<16xf32>
          %parallel_loop3A_252 = arith.constant 1 : i32
          %parallel_loop3A_253 = arith.index_cast %parallel_loop3A_252 : i32 to index
          %parallel_loop3A_254 = arith.index_cast %parallel_loop3A_208 : i32 to index
          %parallel_loop3A_255 = arith.constant 80 : index
          %parallel_loop3A_256 = tpu.vector_load %arg6[%parallel_loop3A_253, %parallel_loop3A_254, %parallel_loop3A_255] {strides = array<i32>} : memref<3x200x128xf32, #tpu.memory_space<vmem>>, vector<1x1x16xf32>,
          %parallel_loop3A_257 = vector.shape_cast %parallel_loop3A_256 : vector<1x1x16xf32> to vector<16xf32>
          %parallel_loop3A_258 = arith.addf %parallel_loop3A_214, %parallel_loop3A_257 : vector<16xf32>
          %parallel_loop3A_259 = arith.constant 1 : i32
          %parallel_loop3A_260 = arith.index_cast %parallel_loop3A_259 : i32 to index
          %parallel_loop3A_261 = arith.index_cast %parallel_loop3A_208 : i32 to index
          %parallel_loop3A_262 = arith.constant 96 : index
          %parallel_loop3A_263 = tpu.vector_load %arg6[%parallel_loop3A_260, %parallel_loop3A_261, %parallel_loop3A_262] {strides = array<i32>} : memref<3x200x128xf32, #tpu.memory_space<vmem>>, vector<1x1x16xf32>,
          %parallel_loop3A_264 = vector.shape_cast %parallel_loop3A_263 : vector<1x1x16xf32> to vector<16xf32>
          %parallel_loop3A_265 = arith.addf %parallel_loop3A_215, %parallel_loop3A_264 : vector<16xf32>
          %parallel_loop3A_266 = arith.constant 1 : i32
          %parallel_loop3A_267 = arith.index_cast %parallel_loop3A_266 : i32 to index
          %parallel_loop3A_268 = arith.index_cast %parallel_loop3A_208 : i32 to index
          %parallel_loop3A_269 = arith.constant 112 : index
          %parallel_loop3A_270 = tpu.vector_load %arg6[%parallel_loop3A_267, %parallel_loop3A_268, %parallel_loop3A_269] {strides = array<i32>} : memref<3x200x128xf32, #tpu.memory_space<vmem>>, vector<1x1x16xf32>,
          %parallel_loop3A_271 = vector.shape_cast %parallel_loop3A_270 : vector<1x1x16xf32> to vector<16xf32>
          %parallel_loop3A_272 = arith.addf %parallel_loop3A_216, %parallel_loop3A_271 : vector<16xf32>
          scf.yield %parallel_loop3A_223, %parallel_loop3A_230, %parallel_loop3A_237, %parallel_loop3A_244, %parallel_loop3A_251, %parallel_loop3A_258, %parallel_loop3A_265, %parallel_loop3A_272 : vector<16xf32>, vector<16xf32>, vector<16xf32>, vector<16xf32>, vector<16xf32>, vector<16xf32>, vector<16xf32>, vector<16xf32>
        } {sc.loop_unroll_factor = 4 : i64, sc.parallel_access}
        %mul3A_138 = arith.constant 5.000000e-03 : f32
        %mul3A_139 = vector.broadcast %mul3A_138 : f32 to vector<16xf32>
        %mul3A_140 = arith.mulf %parallel_loop3A_137#0, %mul3A_139 : vector<16xf32>
        %swap3A = arith.index_cast %add3A_92 : i32 to index
        %swap3A_141 = arith.constant 0 : index
        %swap3A_142 = tpu.vector_load %arg7[%swap3A, %swap3A_141] {strides = array<i32>} : memref<128x128xf32, #tpu.memory_space<vmem>>, vector<1x16xf32>,
        %swap3A_143 = vector.shape_cast %swap3A_142 : vector<1x16xf32> to vector<16xf32>
        %swap3A_144 = vector.shape_cast %mul3A_140 : vector<16xf32> to vector<1x16xf32>
        tpu.vector_store %arg7[%swap3A, %swap3A_141], %swap3A_144 {strides = array<i32>} : memref<128x128xf32, #tpu.memory_space<vmem>>, vector<1x16xf32>,
        %mul3A_145 = arith.constant 5.000000e-03 : f32
        %mul3A_146 = vector.broadcast %mul3A_145 : f32 to vector<16xf32>
        %mul3A_147 = arith.mulf %parallel_loop3A_137#1, %mul3A_146 : vector<16xf32>
        %swap3A_148 = arith.index_cast %add3A_92 : i32 to index
        %swap3A_149 = arith.constant 16 : index
        %swap3A_150 = tpu.vector_load %arg7[%swap3A_148, %swap3A_149] {strides = array<i32>} : memref<128x128xf32, #tpu.memory_space<vmem>>, vector<1x16xf32>,
        %swap3A_151 = vector.shape_cast %swap3A_150 : vector<1x16xf32> to vector<16xf32>
        %swap3A_152 = vector.shape_cast %mul3A_147 : vector<16xf32> to vector<1x16xf32>
        tpu.vector_store %arg7[%swap3A_148, %swap3A_149], %swap3A_152 {strides = array<i32>} : memref<128x128xf32, #tpu.memory_space<vmem>>, vector<1x16xf32>,
        %mul3A_153 = arith.constant 5.000000e-03 : f32
        %mul3A_154 = vector.broadcast %mul3A_153 : f32 to vector<16xf32>
        %mul3A_155 = arith.mulf %parallel_loop3A_137#2, %mul3A_154 : vector<16xf32>
        %swap3A_156 = arith.index_cast %add3A_92 : i32 to index
        %swap3A_157 = arith.constant 32 : index
        %swap3A_158 = tpu.vector_load %arg7[%swap3A_156, %swap3A_157] {strides = array<i32>} : memref<128x128xf32, #tpu.memory_space<vmem>>, vector<1x16xf32>,
        %swap3A_159 = vector.shape_cast %swap3A_158 : vector<1x16xf32> to vector<16xf32>
        %swap3A_160 = vector.shape_cast %mul3A_155 : vector<16xf32> to vector<1x16xf32>
        tpu.vector_store %arg7[%swap3A_156, %swap3A_157], %swap3A_160 {strides = array<i32>} : memref<128x128xf32, #tpu.memory_space<vmem>>, vector<1x16xf32>,
        %mul3A_161 = arith.constant 5.000000e-03 : f32
        %mul3A_162 = vector.broadcast %mul3A_161 : f32 to vector<16xf32>
        %mul3A_163 = arith.mulf %parallel_loop3A_137#3, %mul3A_162 : vector<16xf32>
        %swap3A_164 = arith.index_cast %add3A_92 : i32 to index
        %swap3A_165 = arith.constant 48 : index
        %swap3A_166 = tpu.vector_load %arg7[%swap3A_164, %swap3A_165] {strides = array<i32>} : memref<128x128xf32, #tpu.memory_space<vmem>>, vector<1x16xf32>,
        %swap3A_167 = vector.shape_cast %swap3A_166 : vector<1x16xf32> to vector<16xf32>
        %swap3A_168 = vector.shape_cast %mul3A_163 : vector<16xf32> to vector<1x16xf32>
        tpu.vector_store %arg7[%swap3A_164, %swap3A_165], %swap3A_168 {strides = array<i32>} : memref<128x128xf32, #tpu.memory_space<vmem>>, vector<1x16xf32>,
        %mul3A_169 = arith.constant 5.000000e-03 : f32
        %mul3A_170 = vector.broadcast %mul3A_169 : f32 to vector<16xf32>
        %mul3A_171 = arith.mulf %parallel_loop3A_137#4, %mul3A_170 : vector<16xf32>
        %swap3A_172 = arith.index_cast %add3A_92 : i32 to index
        %swap3A_173 = arith.constant 64 : index
        %swap3A_174 = tpu.vector_load %arg7[%swap3A_172, %swap3A_173] {strides = array<i32>} : memref<128x128xf32, #tpu.memory_space<vmem>>, vector<1x16xf32>,
        %swap3A_175 = vector.shape_cast %swap3A_174 : vector<1x16xf32> to vector<16xf32>
        %swap3A_176 = vector.shape_cast %mul3A_171 : vector<16xf32> to vector<1x16xf32>
        tpu.vector_store %arg7[%swap3A_172, %swap3A_173], %swap3A_176 {strides = array<i32>} : memref<128x128xf32, #tpu.memory_space<vmem>>, vector<1x16xf32>,
        %mul3A_177 = arith.constant 5.000000e-03 : f32
        %mul3A_178 = vector.broadcast %mul3A_177 : f32 to vector<16xf32>
        %mul3A_179 = arith.mulf %parallel_loop3A_137#5, %mul3A_178 : vector<16xf32>
        %swap3A_180 = arith.index_cast %add3A_92 : i32 to index
        %swap3A_181 = arith.constant 80 : index
        %swap3A_182 = tpu.vector_load %arg7[%swap3A_180, %swap3A_181] {strides = array<i32>} : memref<128x128xf32, #tpu.memory_space<vmem>>, vector<1x16xf32>,
        %swap3A_183 = vector.shape_cast %swap3A_182 : vector<1x16xf32> to vector<16xf32>
        %swap3A_184 = vector.shape_cast %mul3A_179 : vector<16xf32> to vector<1x16xf32>
        tpu.vector_store %arg7[%swap3A_180, %swap3A_181], %swap3A_184 {strides = array<i32>} : memref<128x128xf32, #tpu.memory_space<vmem>>, vector<1x16xf32>,
        %mul3A_185 = arith.constant 5.000000e-03 : f32
        %mul3A_186 = vector.broadcast %mul3A_185 : f32 to vector<16xf32>
        %mul3A_187 = arith.mulf %parallel_loop3A_137#6, %mul3A_186 : vector<16xf32>
        %swap3A_188 = arith.index_cast %add3A_92 : i32 to index
        %swap3A_189 = arith.constant 96 : index
        %swap3A_190 = tpu.vector_load %arg7[%swap3A_188, %swap3A_189] {strides = array<i32>} : memref<128x128xf32, #tpu.memory_space<vmem>>, vector<1x16xf32>,
        %swap3A_191 = vector.shape_cast %swap3A_190 : vector<1x16xf32> to vector<16xf32>
        %swap3A_192 = vector.shape_cast %mul3A_187 : vector<16xf32> to vector<1x16xf32>
        tpu.vector_store %arg7[%swap3A_188, %swap3A_189], %swap3A_192 {strides = array<i32>} : memref<128x128xf32, #tpu.memory_space<vmem>>, vector<1x16xf32>,
        %mul3A_193 = arith.constant 5.000000e-03 : f32
        %mul3A_194 = vector.broadcast %mul3A_193 : f32 to vector<16xf32>
        %mul3A_195 = arith.mulf %parallel_loop3A_137#7, %mul3A_194 : vector<16xf32>
        %swap3A_196 = arith.index_cast %add3A_92 : i32 to index
        %swap3A_197 = arith.constant 112 : index
        %swap3A_198 = tpu.vector_load %arg7[%swap3A_196, %swap3A_197] {strides = array<i32>} : memref<128x128xf32, #tpu.memory_space<vmem>>, vector<1x16xf32>,
        %swap3A_199 = vector.shape_cast %swap3A_198 : vector<1x16xf32> to vector<16xf32>
        %swap3A_200 = vector.shape_cast %mul3A_195 : vector<16xf32> to vector<1x16xf32>
        tpu.vector_store %arg7[%swap3A_196, %swap3A_197], %swap3A_200 {strides = array<i32>} : memref<128x128xf32, #tpu.memory_space<vmem>>, vector<1x16xf32>,
        %add3A_201 = arith.constant 3 : i32
        %add3A_202 = arith.addi %add3A_92, %add3A_201 : i32
        %lt3A_203 = arith.constant 128 : i32
        %lt3A_204 = arith.cmpi slt, %add3A_202, %lt3A_203 : i32
        %convert_element_type3A_205 = arith.extui %lt3A_204 : i1 to i32
        %cond3A_206 = arith.constant 0 : i32
        %cond3A_207 = arith.cmpi ne, %convert_element_type3A_205, %cond3A_206 : i32
        scf.if %cond3A_207 {
          %add3A_208 = arith.constant 3 : i32
          %add3A_209 = arith.addi %add3A_92, %add3A_208 : i32
          %mul3A_210 = arith.constant 200 : i32
          %mul3A_211 = arith.muli %add3A_209, %mul3A_210 : i32
          %multiple_of3A_212 = tpu.assume_multiple %mul3A_211, 8 : i32
          %dma_start3A_213 = arith.constant 1 : i32
          %dma_start3A_214 = arith.constant 0 : i32
          %dma_start3A_215 = arith.constant 0 : i32
          %dma_start3A_216 = tpu.memref_slice %arg6[%dma_start3A_213, %dma_start3A_214, %dma_start3A_215] : memref<3x200x128xf32, #tpu.memory_space<vmem>> -> memref<1x104x128xf32, #tpu.memory_space<vmem>>
          %dma_start3A_217 = tpu.memref_squeeze %dma_start3A_216 : memref<1x104x128xf32, #tpu.memory_space<vmem>> -> memref<104x128xf32, #tpu.memory_space<vmem>>
          %dma_start3A_218 = tpu.memref_slice %arg5[%multiple_of3A_212] : memref<25600xi32, #tpu.memory_space<vmem>> -> memref<104xi32, #tpu.memory_space<vmem>>
          %dma_start3A_219 = arith.constant 0 : i32
          %dma_start3A_220 = arith.constant 0 : i32
          %dma_start3A_221 = tpu.memref_slice %arg2[%dma_start3A_219, %dma_start3A_220] : memref<100000x128xf32, #tpu.memory_space<hbm>> -> memref<100000x128xf32, #tpu.memory_space<hbm>>
          tpu.enqueue_indirect_dma source(%dma_start3A_221 : memref<100000x128xf32, #tpu.memory_space<hbm>>) target(%dma_start3A_217 : memref<104x128xf32, #tpu.memory_space<vmem>>) offsets(%dma_start3A_218 : memref<104xi32, #tpu.memory_space<vmem>>) semaphore(%arg9 : memref<!tpu.dma_semaphore, #tpu.memory_space<semaphore_mem>>)
          %mul3A_222 = arith.constant 200 : i32
          %mul3A_223 = arith.muli %add3A_209, %mul3A_222 : i32
          %add3A_224 = arith.constant 104 : i32
          %add3A_225 = arith.addi %mul3A_223, %add3A_224 : i32
          %multiple_of3A_226 = tpu.assume_multiple %add3A_225, 8 : i32
          %dma_start3A_227 = arith.constant 1 : i32
          %dma_start3A_228 = arith.constant 104 : i32
          %dma_start3A_229 = arith.constant 0 : i32
          %dma_start3A_230 = tpu.memref_slice %arg6[%dma_start3A_227, %dma_start3A_228, %dma_start3A_229] : memref<3x200x128xf32, #tpu.memory_space<vmem>> -> memref<1x96x128xf32, #tpu.memory_space<vmem>>
          %dma_start3A_231 = tpu.memref_squeeze %dma_start3A_230 : memref<1x96x128xf32, #tpu.memory_space<vmem>> -> memref<96x128xf32, #tpu.memory_space<vmem>>
          %dma_start3A_232 = tpu.memref_slice %arg5[%multiple_of3A_226] : memref<25600xi32, #tpu.memory_space<vmem>> -> memref<96xi32, #tpu.memory_space<vmem>>
          %dma_start3A_233 = arith.constant 0 : i32
          %dma_start3A_234 = arith.constant 0 : i32
          %dma_start3A_235 = tpu.memref_slice %arg2[%dma_start3A_233, %dma_start3A_234] : memref<100000x128xf32, #tpu.memory_space<hbm>> -> memref<100000x128xf32, #tpu.memory_space<hbm>>
          tpu.enqueue_indirect_dma source(%dma_start3A_235 : memref<100000x128xf32, #tpu.memory_space<hbm>>) target(%dma_start3A_231 : memref<96x128xf32, #tpu.memory_space<vmem>>) offsets(%dma_start3A_232 : memref<96xi32, #tpu.memory_space<vmem>>) semaphore(%arg9 : memref<!tpu.dma_semaphore, #tpu.memory_space<semaphore_mem>>)
        } else {
        }
      } else {
      }
      %add3A_98 = arith.constant 2 : i32
      %add3A_99 = arith.addi %add3A_86, %add3A_98 : i32
      %lt3A_100 = arith.constant 128 : i32
      %lt3A_101 = arith.cmpi slt, %add3A_99, %lt3A_100 : i32
      %convert_element_type3A_102 = arith.extui %lt3A_101 : i1 to i32
      %cond3A_103 = arith.constant 0 : i32
      %cond3A_104 = arith.cmpi ne, %convert_element_type3A_102, %cond3A_103 : i32
      scf.if %cond3A_104 {
        %dma_wait3A_105 = arith.constant 2 : i32
        %dma_wait3A_106 = arith.constant 0 : i32
        %dma_wait3A_107 = arith.constant 0 : i32
        %dma_wait3A_108 = tpu.memref_slice %arg6[%dma_wait3A_105, %dma_wait3A_106, %dma_wait3A_107] : memref<3x200x128xf32, #tpu.memory_space<vmem>> -> memref<1x200x128xf32, #tpu.memory_space<vmem>>
        %dma_wait3A_109 = tpu.memref_squeeze %dma_wait3A_108 : memref<1x200x128xf32, #tpu.memory_space<vmem>> -> memref<200x128xf32, #tpu.memory_space<vmem>>
        %dma_wait3A_110 = arith.constant 0 : i32
        %dma_wait3A_111 = arith.constant 0 : i32
        %dma_wait3A_112 = tpu.memref_slice %arg2[%dma_wait3A_110, %dma_wait3A_111] : memref<100000x128xf32, #tpu.memory_space<hbm>> -> memref<200x128xf32, #tpu.memory_space<hbm>>
        %dma_wait3A_113 = arith.constant 0 : i32
        %dma_wait3A_114 = arith.constant 0 : i32
        %dma_wait3A_115 = tpu.memref_slice %arg6[%dma_wait3A_105, %dma_wait3A_113, %dma_wait3A_114] : memref<3x200x128xf32, #tpu.memory_space<vmem>> -> memref<1x200x128xf32, #tpu.memory_space<vmem>>
        %dma_wait3A_116 = tpu.memref_squeeze %dma_wait3A_115 : memref<1x200x128xf32, #tpu.memory_space<vmem>> -> memref<200x128xf32, #tpu.memory_space<vmem>>
        %dma_wait3A_117 = arith.constant 0 : i32
        %dma_wait3A_118 = arith.constant 0 : i32
        %dma_wait3A_119 = tpu.memref_slice %arg2[%dma_wait3A_117, %dma_wait3A_118] : memref<100000x128xf32, #tpu.memory_space<hbm>> -> memref<200x128xf32, #tpu.memory_space<hbm>>
        tpu.wait_dma2 semaphore(%arg10 : memref<!tpu.dma_semaphore, #tpu.memory_space<semaphore_mem>>) src(%dma_wait3A_119 : memref<200x128xf32, #tpu.memory_space<hbm>>) dst(%dma_wait3A_116 : memref<200x128xf32, #tpu.memory_space<vmem>>)
        %broadcast_in_dim3A = arith.constant 0.000000e+00 : f32
        %broadcast_in_dim3A_120 = vector.broadcast %broadcast_in_dim3A : f32 to vector<16xf32>
        %broadcast_in_dim3A_121 = arith.constant 0.000000e+00 : f32
        %broadcast_in_dim3A_122 = vector.broadcast %broadcast_in_dim3A_121 : f32 to vector<16xf32>
        %broadcast_in_dim3A_123 = arith.constant 0.000000e+00 : f32
        %broadcast_in_dim3A_124 = vector.broadcast %broadcast_in_dim3A_123 : f32 to vector<16xf32>
        %broadcast_in_dim3A_125 = arith.constant 0.000000e+00 : f32
        %broadcast_in_dim3A_126 = vector.broadcast %broadcast_in_dim3A_125 : f32 to vector<16xf32>
        %broadcast_in_dim3A_127 = arith.constant 0.000000e+00 : f32
        %broadcast_in_dim3A_128 = vector.broadcast %broadcast_in_dim3A_127 : f32 to vector<16xf32>
        %broadcast_in_dim3A_129 = arith.constant 0.000000e+00 : f32
        %broadcast_in_dim3A_130 = vector.broadcast %broadcast_in_dim3A_129 : f32 to vector<16xf32>
        %broadcast_in_dim3A_131 = arith.constant 0.000000e+00 : f32
        %broadcast_in_dim3A_132 = vector.broadcast %broadcast_in_dim3A_131 : f32 to vector<16xf32>
        %broadcast_in_dim3A_133 = arith.constant 0.000000e+00 : f32
        %broadcast_in_dim3A_134 = vector.broadcast %broadcast_in_dim3A_133 : f32 to vector<16xf32>
        %parallel_loop3A = arith.constant 0 : i32
        %parallel_loop3A_135 = arith.constant 200 : i32
        %parallel_loop3A_136 = arith.constant 1 : i32
        %parallel_loop3A_137:8 = scf.for %parallel_loop3A_208 = %parallel_loop3A to %parallel_loop3A_135 step %parallel_loop3A_136 iter_args(%parallel_loop3A_209 = %broadcast_in_dim3A_120, %parallel_loop3A_210 = %broadcast_in_dim3A_122, %parallel_loop3A_211 = %broadcast_in_dim3A_124, %parallel_loop3A_212 = %broadcast_in_dim3A_126, %parallel_loop3A_213 = %broadcast_in_dim3A_128, %parallel_loop3A_214 = %broadcast_in_dim3A_130, %parallel_loop3A_215 = %broadcast_in_dim3A_132, %parallel_loop3A_216 = %broadcast_in_dim3A_134) -> (vector<16xf32>, vector<16xf32>, vector<16xf32>, vector<16xf32>, vector<16xf32>, vector<16xf32>, vector<16xf32>, vector<16xf32>)  : i32 {
          %parallel_loop3A_217 = arith.constant 2 : i32
          %parallel_loop3A_218 = arith.index_cast %parallel_loop3A_217 : i32 to index
          %parallel_loop3A_219 = arith.index_cast %parallel_loop3A_208 : i32 to index
          %parallel_loop3A_220 = arith.constant 0 : index
          %parallel_loop3A_221 = tpu.vector_load %arg6[%parallel_loop3A_218, %parallel_loop3A_219, %parallel_loop3A_220] {strides = array<i32>} : memref<3x200x128xf32, #tpu.memory_space<vmem>>, vector<1x1x16xf32>,
          %parallel_loop3A_222 = vector.shape_cast %parallel_loop3A_221 : vector<1x1x16xf32> to vector<16xf32>
          %parallel_loop3A_223 = arith.addf %parallel_loop3A_209, %parallel_loop3A_222 : vector<16xf32>
          %parallel_loop3A_224 = arith.constant 2 : i32
          %parallel_loop3A_225 = arith.index_cast %parallel_loop3A_224 : i32 to index
          %parallel_loop3A_226 = arith.index_cast %parallel_loop3A_208 : i32 to index
          %parallel_loop3A_227 = arith.constant 16 : index
          %parallel_loop3A_228 = tpu.vector_load %arg6[%parallel_loop3A_225, %parallel_loop3A_226, %parallel_loop3A_227] {strides = array<i32>} : memref<3x200x128xf32, #tpu.memory_space<vmem>>, vector<1x1x16xf32>,
          %parallel_loop3A_229 = vector.shape_cast %parallel_loop3A_228 : vector<1x1x16xf32> to vector<16xf32>
          %parallel_loop3A_230 = arith.addf %parallel_loop3A_210, %parallel_loop3A_229 : vector<16xf32>
          %parallel_loop3A_231 = arith.constant 2 : i32
          %parallel_loop3A_232 = arith.index_cast %parallel_loop3A_231 : i32 to index
          %parallel_loop3A_233 = arith.index_cast %parallel_loop3A_208 : i32 to index
          %parallel_loop3A_234 = arith.constant 32 : index
          %parallel_loop3A_235 = tpu.vector_load %arg6[%parallel_loop3A_232, %parallel_loop3A_233, %parallel_loop3A_234] {strides = array<i32>} : memref<3x200x128xf32, #tpu.memory_space<vmem>>, vector<1x1x16xf32>,
          %parallel_loop3A_236 = vector.shape_cast %parallel_loop3A_235 : vector<1x1x16xf32> to vector<16xf32>
          %parallel_loop3A_237 = arith.addf %parallel_loop3A_211, %parallel_loop3A_236 : vector<16xf32>
          %parallel_loop3A_238 = arith.constant 2 : i32
          %parallel_loop3A_239 = arith.index_cast %parallel_loop3A_238 : i32 to index
          %parallel_loop3A_240 = arith.index_cast %parallel_loop3A_208 : i32 to index
          %parallel_loop3A_241 = arith.constant 48 : index
          %parallel_loop3A_242 = tpu.vector_load %arg6[%parallel_loop3A_239, %parallel_loop3A_240, %parallel_loop3A_241] {strides = array<i32>} : memref<3x200x128xf32, #tpu.memory_space<vmem>>, vector<1x1x16xf32>,
          %parallel_loop3A_243 = vector.shape_cast %parallel_loop3A_242 : vector<1x1x16xf32> to vector<16xf32>
          %parallel_loop3A_244 = arith.addf %parallel_loop3A_212, %parallel_loop3A_243 : vector<16xf32>
          %parallel_loop3A_245 = arith.constant 2 : i32
          %parallel_loop3A_246 = arith.index_cast %parallel_loop3A_245 : i32 to index
          %parallel_loop3A_247 = arith.index_cast %parallel_loop3A_208 : i32 to index
          %parallel_loop3A_248 = arith.constant 64 : index
          %parallel_loop3A_249 = tpu.vector_load %arg6[%parallel_loop3A_246, %parallel_loop3A_247, %parallel_loop3A_248] {strides = array<i32>} : memref<3x200x128xf32, #tpu.memory_space<vmem>>, vector<1x1x16xf32>,
          %parallel_loop3A_250 = vector.shape_cast %parallel_loop3A_249 : vector<1x1x16xf32> to vector<16xf32>
          %parallel_loop3A_251 = arith.addf %parallel_loop3A_213, %parallel_loop3A_250 : vector<16xf32>
          %parallel_loop3A_252 = arith.constant 2 : i32
          %parallel_loop3A_253 = arith.index_cast %parallel_loop3A_252 : i32 to index
          %parallel_loop3A_254 = arith.index_cast %parallel_loop3A_208 : i32 to index
          %parallel_loop3A_255 = arith.constant 80 : index
          %parallel_loop3A_256 = tpu.vector_load %arg6[%parallel_loop3A_253, %parallel_loop3A_254, %parallel_loop3A_255] {strides = array<i32>} : memref<3x200x128xf32, #tpu.memory_space<vmem>>, vector<1x1x16xf32>,
          %parallel_loop3A_257 = vector.shape_cast %parallel_loop3A_256 : vector<1x1x16xf32> to vector<16xf32>
          %parallel_loop3A_258 = arith.addf %parallel_loop3A_214, %parallel_loop3A_257 : vector<16xf32>
          %parallel_loop3A_259 = arith.constant 2 : i32
          %parallel_loop3A_260 = arith.index_cast %parallel_loop3A_259 : i32 to index
          %parallel_loop3A_261 = arith.index_cast %parallel_loop3A_208 : i32 to index
          %parallel_loop3A_262 = arith.constant 96 : index
          %parallel_loop3A_263 = tpu.vector_load %arg6[%parallel_loop3A_260, %parallel_loop3A_261, %parallel_loop3A_262] {strides = array<i32>} : memref<3x200x128xf32, #tpu.memory_space<vmem>>, vector<1x1x16xf32>,
          %parallel_loop3A_264 = vector.shape_cast %parallel_loop3A_263 : vector<1x1x16xf32> to vector<16xf32>
          %parallel_loop3A_265 = arith.addf %parallel_loop3A_215, %parallel_loop3A_264 : vector<16xf32>
          %parallel_loop3A_266 = arith.constant 2 : i32
          %parallel_loop3A_267 = arith.index_cast %parallel_loop3A_266 : i32 to index
          %parallel_loop3A_268 = arith.index_cast %parallel_loop3A_208 : i32 to index
          %parallel_loop3A_269 = arith.constant 112 : index
          %parallel_loop3A_270 = tpu.vector_load %arg6[%parallel_loop3A_267, %parallel_loop3A_268, %parallel_loop3A_269] {strides = array<i32>} : memref<3x200x128xf32, #tpu.memory_space<vmem>>, vector<1x1x16xf32>,
          %parallel_loop3A_271 = vector.shape_cast %parallel_loop3A_270 : vector<1x1x16xf32> to vector<16xf32>
          %parallel_loop3A_272 = arith.addf %parallel_loop3A_216, %parallel_loop3A_271 : vector<16xf32>
          scf.yield %parallel_loop3A_223, %parallel_loop3A_230, %parallel_loop3A_237, %parallel_loop3A_244, %parallel_loop3A_251, %parallel_loop3A_258, %parallel_loop3A_265, %parallel_loop3A_272 : vector<16xf32>, vector<16xf32>, vector<16xf32>, vector<16xf32>, vector<16xf32>, vector<16xf32>, vector<16xf32>, vector<16xf32>
        } {sc.loop_unroll_factor = 4 : i64, sc.parallel_access}
        %mul3A_138 = arith.constant 5.000000e-03 : f32
        %mul3A_139 = vector.broadcast %mul3A_138 : f32 to vector<16xf32>
        %mul3A_140 = arith.mulf %parallel_loop3A_137#0, %mul3A_139 : vector<16xf32>
        %swap3A = arith.index_cast %add3A_99 : i32 to index
        %swap3A_141 = arith.constant 0 : index
        %swap3A_142 = tpu.vector_load %arg7[%swap3A, %swap3A_141] {strides = array<i32>} : memref<128x128xf32, #tpu.memory_space<vmem>>, vector<1x16xf32>,
        %swap3A_143 = vector.shape_cast %swap3A_142 : vector<1x16xf32> to vector<16xf32>
        %swap3A_144 = vector.shape_cast %mul3A_140 : vector<16xf32> to vector<1x16xf32>
        tpu.vector_store %arg7[%swap3A, %swap3A_141], %swap3A_144 {strides = array<i32>} : memref<128x128xf32, #tpu.memory_space<vmem>>, vector<1x16xf32>,
        %mul3A_145 = arith.constant 5.000000e-03 : f32
        %mul3A_146 = vector.broadcast %mul3A_145 : f32 to vector<16xf32>
        %mul3A_147 = arith.mulf %parallel_loop3A_137#1, %mul3A_146 : vector<16xf32>
        %swap3A_148 = arith.index_cast %add3A_99 : i32 to index
        %swap3A_149 = arith.constant 16 : index
        %swap3A_150 = tpu.vector_load %arg7[%swap3A_148, %swap3A_149] {strides = array<i32>} : memref<128x128xf32, #tpu.memory_space<vmem>>, vector<1x16xf32>,
        %swap3A_151 = vector.shape_cast %swap3A_150 : vector<1x16xf32> to vector<16xf32>
        %swap3A_152 = vector.shape_cast %mul3A_147 : vector<16xf32> to vector<1x16xf32>
        tpu.vector_store %arg7[%swap3A_148, %swap3A_149], %swap3A_152 {strides = array<i32>} : memref<128x128xf32, #tpu.memory_space<vmem>>, vector<1x16xf32>,
        %mul3A_153 = arith.constant 5.000000e-03 : f32
        %mul3A_154 = vector.broadcast %mul3A_153 : f32 to vector<16xf32>
        %mul3A_155 = arith.mulf %parallel_loop3A_137#2, %mul3A_154 : vector<16xf32>
        %swap3A_156 = arith.index_cast %add3A_99 : i32 to index
        %swap3A_157 = arith.constant 32 : index
        %swap3A_158 = tpu.vector_load %arg7[%swap3A_156, %swap3A_157] {strides = array<i32>} : memref<128x128xf32, #tpu.memory_space<vmem>>, vector<1x16xf32>,
        %swap3A_159 = vector.shape_cast %swap3A_158 : vector<1x16xf32> to vector<16xf32>
        %swap3A_160 = vector.shape_cast %mul3A_155 : vector<16xf32> to vector<1x16xf32>
        tpu.vector_store %arg7[%swap3A_156, %swap3A_157], %swap3A_160 {strides = array<i32>} : memref<128x128xf32, #tpu.memory_space<vmem>>, vector<1x16xf32>,
        %mul3A_161 = arith.constant 5.000000e-03 : f32
        %mul3A_162 = vector.broadcast %mul3A_161 : f32 to vector<16xf32>
        %mul3A_163 = arith.mulf %parallel_loop3A_137#3, %mul3A_162 : vector<16xf32>
        %swap3A_164 = arith.index_cast %add3A_99 : i32 to index
        %swap3A_165 = arith.constant 48 : index
        %swap3A_166 = tpu.vector_load %arg7[%swap3A_164, %swap3A_165] {strides = array<i32>} : memref<128x128xf32, #tpu.memory_space<vmem>>, vector<1x16xf32>,
        %swap3A_167 = vector.shape_cast %swap3A_166 : vector<1x16xf32> to vector<16xf32>
        %swap3A_168 = vector.shape_cast %mul3A_163 : vector<16xf32> to vector<1x16xf32>
        tpu.vector_store %arg7[%swap3A_164, %swap3A_165], %swap3A_168 {strides = array<i32>} : memref<128x128xf32, #tpu.memory_space<vmem>>, vector<1x16xf32>,
        %mul3A_169 = arith.constant 5.000000e-03 : f32
        %mul3A_170 = vector.broadcast %mul3A_169 : f32 to vector<16xf32>
        %mul3A_171 = arith.mulf %parallel_loop3A_137#4, %mul3A_170 : vector<16xf32>
        %swap3A_172 = arith.index_cast %add3A_99 : i32 to index
        %swap3A_173 = arith.constant 64 : index
        %swap3A_174 = tpu.vector_load %arg7[%swap3A_172, %swap3A_173] {strides = array<i32>} : memref<128x128xf32, #tpu.memory_space<vmem>>, vector<1x16xf32>,
        %swap3A_175 = vector.shape_cast %swap3A_174 : vector<1x16xf32> to vector<16xf32>
        %swap3A_176 = vector.shape_cast %mul3A_171 : vector<16xf32> to vector<1x16xf32>
        tpu.vector_store %arg7[%swap3A_172, %swap3A_173], %swap3A_176 {strides = array<i32>} : memref<128x128xf32, #tpu.memory_space<vmem>>, vector<1x16xf32>,
        %mul3A_177 = arith.constant 5.000000e-03 : f32
        %mul3A_178 = vector.broadcast %mul3A_177 : f32 to vector<16xf32>
        %mul3A_179 = arith.mulf %parallel_loop3A_137#5, %mul3A_178 : vector<16xf32>
        %swap3A_180 = arith.index_cast %add3A_99 : i32 to index
        %swap3A_181 = arith.constant 80 : index
        %swap3A_182 = tpu.vector_load %arg7[%swap3A_180, %swap3A_181] {strides = array<i32>} : memref<128x128xf32, #tpu.memory_space<vmem>>, vector<1x16xf32>,
        %swap3A_183 = vector.shape_cast %swap3A_182 : vector<1x16xf32> to vector<16xf32>
        %swap3A_184 = vector.shape_cast %mul3A_179 : vector<16xf32> to vector<1x16xf32>
        tpu.vector_store %arg7[%swap3A_180, %swap3A_181], %swap3A_184 {strides = array<i32>} : memref<128x128xf32, #tpu.memory_space<vmem>>, vector<1x16xf32>,
        %mul3A_185 = arith.constant 5.000000e-03 : f32
        %mul3A_186 = vector.broadcast %mul3A_185 : f32 to vector<16xf32>
        %mul3A_187 = arith.mulf %parallel_loop3A_137#6, %mul3A_186 : vector<16xf32>
        %swap3A_188 = arith.index_cast %add3A_99 : i32 to index
        %swap3A_189 = arith.constant 96 : index
        %swap3A_190 = tpu.vector_load %arg7[%swap3A_188, %swap3A_189] {strides = array<i32>} : memref<128x128xf32, #tpu.memory_space<vmem>>, vector<1x16xf32>,
        %swap3A_191 = vector.shape_cast %swap3A_190 : vector<1x16xf32> to vector<16xf32>
        %swap3A_192 = vector.shape_cast %mul3A_187 : vector<16xf32> to vector<1x16xf32>
        tpu.vector_store %arg7[%swap3A_188, %swap3A_189], %swap3A_192 {strides = array<i32>} : memref<128x128xf32, #tpu.memory_space<vmem>>, vector<1x16xf32>,
        %mul3A_193 = arith.constant 5.000000e-03 : f32
        %mul3A_194 = vector.broadcast %mul3A_193 : f32 to vector<16xf32>
        %mul3A_195 = arith.mulf %parallel_loop3A_137#7, %mul3A_194 : vector<16xf32>
        %swap3A_196 = arith.index_cast %add3A_99 : i32 to index
        %swap3A_197 = arith.constant 112 : index
        %swap3A_198 = tpu.vector_load %arg7[%swap3A_196, %swap3A_197] {strides = array<i32>} : memref<128x128xf32, #tpu.memory_space<vmem>>, vector<1x16xf32>,
        %swap3A_199 = vector.shape_cast %swap3A_198 : vector<1x16xf32> to vector<16xf32>
        %swap3A_200 = vector.shape_cast %mul3A_195 : vector<16xf32> to vector<1x16xf32>
        tpu.vector_store %arg7[%swap3A_196, %swap3A_197], %swap3A_200 {strides = array<i32>} : memref<128x128xf32, #tpu.memory_space<vmem>>, vector<1x16xf32>,
        %add3A_201 = arith.constant 3 : i32
        %add3A_202 = arith.addi %add3A_99, %add3A_201 : i32
        %lt3A_203 = arith.constant 128 : i32
        %lt3A_204 = arith.cmpi slt, %add3A_202, %lt3A_203 : i32
        %convert_element_type3A_205 = arith.extui %lt3A_204 : i1 to i32
        %cond3A_206 = arith.constant 0 : i32
        %cond3A_207 = arith.cmpi ne, %convert_element_type3A_205, %cond3A_206 : i32
        scf.if %cond3A_207 {
          %add3A_208 = arith.constant 3 : i32
          %add3A_209 = arith.addi %add3A_99, %add3A_208 : i32
          %mul3A_210 = arith.constant 200 : i32
          %mul3A_211 = arith.muli %add3A_209, %mul3A_210 : i32
          %multiple_of3A_212 = tpu.assume_multiple %mul3A_211, 8 : i32
          %dma_start3A_213 = arith.constant 2 : i32
          %dma_start3A_214 = arith.constant 0 : i32
          %dma_start3A_215 = arith.constant 0 : i32
          %dma_start3A_216 = tpu.memref_slice %arg6[%dma_start3A_213, %dma_start3A_214, %dma_start3A_215] : memref<3x200x128xf32, #tpu.memory_space<vmem>> -> memref<1x104x128xf32, #tpu.memory_space<vmem>>
          %dma_start3A_217 = tpu.memref_squeeze %dma_start3A_216 : memref<1x104x128xf32, #tpu.memory_space<vmem>> -> memref<104x128xf32, #tpu.memory_space<vmem>>
          %dma_start3A_218 = tpu.memref_slice %arg5[%multiple_of3A_212] : memref<25600xi32, #tpu.memory_space<vmem>> -> memref<104xi32, #tpu.memory_space<vmem>>
          %dma_start3A_219 = arith.constant 0 : i32
          %dma_start3A_220 = arith.constant 0 : i32
          %dma_start3A_221 = tpu.memref_slice %arg2[%dma_start3A_219, %dma_start3A_220] : memref<100000x128xf32, #tpu.memory_space<hbm>> -> memref<100000x128xf32, #tpu.memory_space<hbm>>
          tpu.enqueue_indirect_dma source(%dma_start3A_221 : memref<100000x128xf32, #tpu.memory_space<hbm>>) target(%dma_start3A_217 : memref<104x128xf32, #tpu.memory_space<vmem>>) offsets(%dma_start3A_218 : memref<104xi32, #tpu.memory_space<vmem>>) semaphore(%arg10 : memref<!tpu.dma_semaphore, #tpu.memory_space<semaphore_mem>>)
          %mul3A_222 = arith.constant 200 : i32
          %mul3A_223 = arith.muli %add3A_209, %mul3A_222 : i32
          %add3A_224 = arith.constant 104 : i32
          %add3A_225 = arith.addi %mul3A_223, %add3A_224 : i32
          %multiple_of3A_226 = tpu.assume_multiple %add3A_225, 8 : i32
          %dma_start3A_227 = arith.constant 2 : i32
          %dma_start3A_228 = arith.constant 104 : i32
          %dma_start3A_229 = arith.constant 0 : i32
          %dma_start3A_230 = tpu.memref_slice %arg6[%dma_start3A_227, %dma_start3A_228, %dma_start3A_229] : memref<3x200x128xf32, #tpu.memory_space<vmem>> -> memref<1x96x128xf32, #tpu.memory_space<vmem>>
          %dma_start3A_231 = tpu.memref_squeeze %dma_start3A_230 : memref<1x96x128xf32, #tpu.memory_space<vmem>> -> memref<96x128xf32, #tpu.memory_space<vmem>>
          %dma_start3A_232 = tpu.memref_slice %arg5[%multiple_of3A_226] : memref<25600xi32, #tpu.memory_space<vmem>> -> memref<96xi32, #tpu.memory_space<vmem>>
          %dma_start3A_233 = arith.constant 0 : i32
          %dma_start3A_234 = arith.constant 0 : i32
          %dma_start3A_235 = tpu.memref_slice %arg2[%dma_start3A_233, %dma_start3A_234] : memref<100000x128xf32, #tpu.memory_space<hbm>> -> memref<100000x128xf32, #tpu.memory_space<hbm>>
          tpu.enqueue_indirect_dma source(%dma_start3A_235 : memref<100000x128xf32, #tpu.memory_space<hbm>>) target(%dma_start3A_231 : memref<96x128xf32, #tpu.memory_space<vmem>>) offsets(%dma_start3A_232 : memref<96xi32, #tpu.memory_space<vmem>>) semaphore(%arg10 : memref<!tpu.dma_semaphore, #tpu.memory_space<semaphore_mem>>)
        } else {
        }
      } else {
      }
    }
    %scan3A_71 = arith.constant 43 : i32
    %mul3A_72 = arith.constant 128 : i32
    %mul3A_73 = arith.muli %add3A, %mul3A_72 : i32
    %multiple_of3A_74 = tpu.assume_multiple %mul3A_73, 8 : i32
    %dma_start3A_75 = arith.constant 0 : i32
    %dma_start3A_76 = tpu.memref_slice %arg4[%multiple_of3A_74, %dma_start3A_75] : memref<4096x128xf32, #tpu.memory_space<hbm>> -> memref<128x128xf32, #tpu.memory_space<hbm>>
    %dma_start3A_77 = arith.constant 0 : i32
    %dma_start3A_78 = tpu.memref_slice %arg4[%multiple_of3A_74, %dma_start3A_77] : memref<4096x128xf32, #tpu.memory_space<hbm>> -> memref<128x128xf32, #tpu.memory_space<hbm>>
    tpu.enqueue_dma source(%arg7 : memref<128x128xf32, #tpu.memory_space<vmem>>) target(%dma_start3A_78 : memref<128x128xf32, #tpu.memory_space<hbm>>) target_semaphore(%arg11 : memref<!tpu.dma_semaphore, #tpu.memory_space<semaphore_mem>>)
    %dma_wait3A = arith.constant 0 : i32
    %dma_wait3A_79 = tpu.memref_slice %arg4[%multiple_of3A_74, %dma_wait3A] : memref<4096x128xf32, #tpu.memory_space<hbm>> -> memref<128x128xf32, #tpu.memory_space<hbm>>
    %dma_wait3A_80 = arith.constant 0 : i32
    %dma_wait3A_81 = tpu.memref_slice %arg4[%multiple_of3A_74, %dma_wait3A_80] : memref<4096x128xf32, #tpu.memory_space<hbm>> -> memref<128x128xf32, #tpu.memory_space<hbm>>
    tpu.wait_dma2 semaphore(%arg11 : memref<!tpu.dma_semaphore, #tpu.memory_space<semaphore_mem>>) src(%arg7 : memref<128x128xf32, #tpu.memory_space<vmem>>) dst(%dma_wait3A_81 : memref<128x128xf32, #tpu.memory_space<hbm>>)
    return
  }
}

module attributes {stable_mosaic.version = 14 : i64} {
  func.func @_mm_body(%arg0: i32, %arg1: memref<1024x128xf32, #tpu.memory_space<vmem>>, %arg2: memref<1000x128xf32, #tpu.memory_space<vmem>>, %arg3: memref<1x1000xf32, #tpu.memory_space<vmem>>, %arg4: memref<1024x1000xf32, #tpu.memory_space<vmem>>) attributes {dimension_semantics = [#tpu.dimension_semantics<arbitrary>], iteration_bounds = array<i64: 4>, scalar_prefetch = 0 : i64, scratch_operands = 0 : i64, tpu.core_type = #tpu.core_type<tc>, window_params = [{transform_indices = @transform_0, window_bounds = array<i64: 1024, 128>}, {pipeline_mode = #tpu.pipeline_mode<synchronous>, transform_indices = @transform_1, window_bounds = array<i64: 1000, 128>}, {pipeline_mode = #tpu.pipeline_mode<synchronous>, transform_indices = @transform_2, window_bounds = array<i64: 1, 1000>}, {transform_indices = @transform_3, window_bounds = array<i64: 1024, 1000>}]} {
    %get3A = arith.constant 0 : index
    %get3A_0 = arith.constant 0 : index
    %get3A_1 = vector.load %arg1[%get3A, %get3A_0] : memref<1024x128xf32, #tpu.memory_space<vmem>>, vector<1024x128xf32>
    %get3A_2 = arith.constant 0 : index
    %get3A_3 = arith.constant 0 : index
    %get3A_4 = vector.load %arg2[%get3A_2, %get3A_3] : memref<1000x128xf32, #tpu.memory_space<vmem>>, vector<1000x128xf32>
    %dot_general3A = arith.constant dense<0.000000e+00> : vector<1024x1000xf32>
    %dot_general3A_5 = tpu.matmul %get3A_1, %get3A_4, %dot_general3A {dimension_numbers = #tpu.dot_dimension_numbers<[1], [1], [0], [0], [0, 0, 1, 0], [], []>, transpose_lhs_hint = false} : vector<1024x128xf32>, vector<1000x128xf32>, vector<1024x1000xf32> -> vector<1024x1000xf32>
    %get3A_6 = arith.constant 0 : index
    %get3A_7 = arith.constant 0 : index
    %get3A_8 = vector.load %arg3[%get3A_6, %get3A_7] : memref<1x1000xf32, #tpu.memory_space<vmem>>, vector<1x1000xf32>
    %add3A = vector.broadcast %get3A_8 : vector<1x1000xf32> to vector<1024x1000xf32>
    %add3A_9 = arith.addf %dot_general3A_5, %add3A : vector<1024x1000xf32>
    %swap3A = arith.constant 0 : index
    %swap3A_10 = arith.constant 0 : index
    %swap3A_11 = vector.load %arg4[%swap3A, %swap3A_10] : memref<1024x1000xf32, #tpu.memory_space<vmem>>, vector<1024x1000xf32>
    tpu.vector_store %arg4[%swap3A, %swap3A_10], %add3A_9 {strides = array<i32>} : memref<1024x1000xf32, #tpu.memory_space<vmem>>, vector<1024x1000xf32>,
    return
  }
  func.func @transform_0(%arg0: i32) -> (i32, i32) {
    %c0_i32 = arith.constant 0 : i32
    %c0_i32_0 = arith.constant 0 : i32
    return %arg0, %c0_i32 : i32, i32
  }
  func.func @transform_1(%arg0: i32) -> (i32, i32) {
    %c0_i32 = arith.constant 0 : i32
    %c0_i32_0 = arith.constant 0 : i32
    %c0_i32_1 = arith.constant 0 : i32
    return %c0_i32, %c0_i32_0 : i32, i32
  }
  func.func @transform_2(%arg0: i32) -> (i32, i32) {
    %c0_i32 = arith.constant 0 : i32
    %c0_i32_0 = arith.constant 0 : i32
    %c0_i32_1 = arith.constant 0 : i32
    return %c0_i32, %c0_i32_0 : i32, i32
  }
  func.func @transform_3(%arg0: i32) -> (i32, i32) {
    %c0_i32 = arith.constant 0 : i32
    %c0_i32_0 = arith.constant 0 : i32
    return %arg0, %c0_i32 : i32, i32
  }
}

</mosaic_0001>

<sc_bundles>
// kernel: kernel.4.cloned.1.call-start
scs
__scs_entry_jumppad:
0x0: {  	(pc) =	sbr.rel $0x88, $3  }
0x1: {  	(tag) =	ssettag $0x0;
	lr =	simm.s32 $0x1  }
0x2: {  	[smem:$0x3F9D] =	sst lr;
	_ =	strace $0xD0000000  }
0x3: {  	_ = 	snop  }
0x4: {  	_ = 	snop  }
0x5: {  	_ = 	snop  }
0x6: {  	_ = 	snop  }
0x7: {  	_ = 	snop  }
__scs_overlays_trampoline_lowered:
0x8: {  	[smem:$0x3FAC] =	sst s0  }
0x9: {  	[smem:$0x3FAD] =	sst s1  }
0xa: {  	[smem:$0x3FAE] =	sst s2  }
0xb: {  	[smem:$0x3FAF] =	sst s3  }
0xc: {  	[smem:$0x3FB0] =	sst s4  }
0xd: {  	[smem:$0x3FB1] =	sst s5  }
0xe: {  	[smem:$0x3FB2] =	sst s6  }
0xf: {  	[smem:$0x3FB3] =	sst s7  }
0x10: {  	[smem:$0x3FB4] =	sst s8  }
0x11: {  	[smem:$0x3FB5] =	sst s9;
	s0 =	simm.s32 @!p0 $0x0  }
0x12: {  	s1 =	sld [smem:$0x3F9B];
	s0 =	simm.s32 @p0 $0x1  }
0x13: {  	[smem:$0x3FB6] =	sst s0;
	s0 =	simm.s32 @!p1 $0x0  }
0x14: {  	s2 =	sld [smem:$0x3F9A];
	s0 =	simm.s32 @p1 $0x1  }
0x15: {  	[smem:$0x3FB7] =	sst s0;
	s0 =	simm.s32 @!p2 $0x0  }
0x16: {  	s3 =	sld [smem:$0x3FDB];
	s0 =	simm.s32 @p2 $0x1  }
0x17: {  	s4 =	simm.s32 $0x1BF5;
	[smem:$0x3FB9] =	sst s0  }
0x18: {  	s0 =	sld [smem:$0x3F9C];
	_ =	swait.ge [sflag:s4], $0x0  }
0x19: {  	s7 =	sld [smem:$0x3F9D]  }
0x1a: {  	s8 =	sadd.s32 $0xFFFFE003, lr  }
0x1b: {  	s9 =	sadd.s32 $0xFFFFFEF7, lr;
	s5 =	simm.s32 $0xFFFFFFFF;
	p2 =	slt.u32 s8, $0xFFFFF086  }
0x1c: {  	p1 =	slt.u32 s9, $0xF7A;
	s5 =	simm.s32 @!p2 $0x0  }
0x1d: {  	s5 =	simm.s32 @p1 $0x1;
	p0 =	seq.s32 s7, s2  }
0x1e: {  	s7 =	smul.u32 @!p0 $0xF7A, s2;
	p2 =	seq.s32 @!p0 s5, $0x0  }
0x1f: {  	s9 =	smul.u32 $0xF7A, s1;
	s8 =	simm.s32 @!p0 $0x1BF5;
	p2 =	por !p2, p0  }
0x20: {  	[sflag:s8] =	ssyncset.s32 @!p0 $0xFFFFF086;
	s6 =	sadd.s32 @!p0 s3, s7;
	s7 =	simm.s32 @!p0 $0x108  }
0x21: {  	s3 =	sadd.s32 s3, s9;
	s6 =	sadd.s32 @!p0 $0x88, s6;
	s7 =	simm.s32 @p2 $0x1082  }
0x22: {  	[simem:s7], [sflag:s8] =	dma.local @!p0 [hbm:s6], $0xF7A  }
0x23: {  	s9 =	sor.u32 $0xD0000000, s2;
	s6 =	simm.s32 $0x108;
	_ =	swait.ge @!p0 [sflag:s8], $0x0  }
0x24: {  	s3 =	sadd.s32 $0x88, s3;
	s6 =	simm.s32 @!p1 $0x1082;
	[sflag:s4] =	ssyncset.s32 $0xFFFFF086  }
0x25: {  	[simem:s6], [sflag:s4] =	dma.local [hbm:s3], $0xF7A  }
0x26: {  	[smem:$0x3F9D] =	sst s1;
	(tag) =	ssettag s2;
	_ =	strace s9  }
0x27: {  	s1 =	sld [smem:$0x3FAD]  }
0x28: {  	s2 =	sld [smem:$0x3FAE]  }
0x29: {  	s4 =	sld [smem:$0x3FB0]  }
0x2a: {  	p0 =	seq.s32 s5, $0x0;
	s5 =	sld [smem:$0x3FB1]  }
0x2b: {  	s6 =	sld [smem:$0x3FB2]  }
0x2c: {  	s7 =	sld [smem:$0x3FB3]  }
0x2d: {  	s3 =	simm.s32 $0x108;
	s8 =	sld [smem:$0x3FB4]  }
0x2e: {  	s3 =	simm.s32 @!p0 $0x1082;
	s9 =	sld [smem:$0x3FB5]  }
0x2f: {  	lr =	sadd.s32 s0, s3;
	s0 =	sld [smem:$0x3FAC]  }
0x30: {  	s3 =	sld [smem:$0x3FAF]  }
0x31: {  	[smem:$0x3FB8] =	sst s10  }
0x32: {  	s10 =	sld [smem:$0x3FB6];
	_ =	sdelay $0x3  }
0x33: {  	p0 =	seq.s32 s10, $0x1;
	s10 =	sld [smem:$0x3FB8];
	_ =	sdelay $0x3  }
0x34: {  	[smem:$0x3FB8] =	sst s10  }
0x35: {  	s10 =	sld [smem:$0x3FB7];
	_ =	sdelay $0x3  }
0x36: {  	p1 =	seq.s32 s10, $0x1;
	s10 =	sld [smem:$0x3FB8];
	_ =	sdelay $0x3  }
0x37: {  	[smem:$0x3FB8] =	sst s10  }
0x38: {  	s10 =	sld [smem:$0x3FB9]  }
0x39: {  	_ = 	snop;
	(pc) =	sbr.ind lr, $3  }
0x3a: {  	_ = 	snop  }
0x3b: {  	_ = 	snop  }
0x3c: {  	p2 =	seq.s32 s10, $0x1;
	s10 =	sld [smem:$0x3FB8]  }
0x3d: {  	_ =	shalt  }
0x3e: {  	_ =	shalt  }
0x3f: {  	_ =	shalt  }
0x40: {  	_ =	shalt  }
0x41: {  	_ =	shalt  }
0x42: {  	_ =	shalt  }
0x43: {  	_ =	shalt  }
0x44: {  	_ =	shalt  }
0x45: {  	_ =	shalt  }
0x46: {  	_ =	shalt  }
0x47: {  	_ =	shalt  }
0x48: {  	_ =	shalt  }
0x49: {  	_ =	shalt  }
0x4a: {  	_ =	shalt  }
0x4b: {  	_ =	shalt  }
0x4c: {  	_ =	shalt  }
0x4d: {  	_ =	shalt  }
0x4e: {  	_ =	shalt  }
0x4f: {  	_ =	shalt  }
0x50: {  	_ =	shalt  }
0x51: {  	_ =	shalt  }
0x52: {  	_ =	shalt  }
0x53: {  	_ =	shalt  }
0x54: {  	_ =	shalt  }
0x55: {  	_ =	shalt  }
0x56: {  	_ =	shalt  }
0x57: {  	_ =	shalt  }
0x58: {  	_ =	shalt  }
0x59: {  	_ =	shalt  }
0x5a: {  	_ =	shalt  }
0x5b: {  	_ =	shalt  }
0x5c: {  	_ =	shalt  }
0x5d: {  	_ =	shalt  }
0x5e: {  	_ =	shalt  }
0x5f: {  	_ =	shalt  }
0x60: {  	_ =	shalt  }
0x61: {  	_ =	shalt  }
0x62: {  	_ =	shalt  }
0x63: {  	_ =	shalt  }
0x64: {  	_ =	shalt  }
0x65: {  	_ =	shalt  }
0x66: {  	_ =	shalt  }
0x67: {  	_ =	shalt  }
0x68: {  	_ =	shalt  }
0x69: {  	_ =	shalt  }
0x6a: {  	_ =	shalt  }
0x6b: {  	_ =	shalt  }
0x6c: {  	_ =	shalt  }
0x6d: {  	_ =	shalt  }
0x6e: {  	_ =	shalt  }
0x6f: {  	_ =	shalt  }
0x70: {  	_ =	shalt  }
0x71: {  	_ =	shalt  }
0x72: {  	_ =	shalt  }
0x73: {  	_ =	shalt  }
0x74: {  	_ =	shalt  }
0x75: {  	_ =	shalt  }
0x76: {  	_ =	shalt  }
0x77: {  	_ =	shalt  }
0x78: {  	_ =	shalt  }
0x79: {  	_ =	shalt  }
0x7a: {  	_ =	shalt  }
0x7b: {  	_ =	shalt  }
0x7c: {  	_ =	shalt  }
0x7d: {  	_ =	shalt  }
0x7e: {  	_ =	shalt  }
0x7f: {  	_ =	shalt  }
0x80: {  	_ =	shalt  }
0x81: {  	_ =	shalt  }
0x82: {  	_ =	shalt  }
0x83: {  	_ =	shalt  }
0x84: {  	_ =	shalt  }
0x85: {  	_ =	shalt  }
0x86: {  	_ =	shalt  }
0x87: {  	_ =	shalt  }
.Lfunc_end0:
.L_simem_size_0:
called_computation_lowered:
.L_overlay_start_0:
0x88: {  	s2 =	sld [smem:$0x3FD9]  }
0x89: {  	s3 =	sld [smem:$0x3FFE];
	_ =	sdelay $0x1  }
0x8a: {  	s1 =	srdreg.scid  }
0x8b: {  	s0 =	sand.u32 $0x1, s1  }
0x8c: {  	s17 =	sshll.u32 s0, $0xA;
	s2 =	sadd.s32 s3, s2  }
0x8d: {  	s2 =	sadd.s32 s2, s17  }
0x8e: {  	[smem:$0x3FC4] =	sst s2  }
0x8f: {  	_ = 	snop  }
0x90: {  	s2 =	sld [smem:$0x3FC8]  }
0x91: {  	s18 =	sld [smem:$0x3FD0];
	(tm) =	ssettm $0x1  }
0x92: {  	s4 =	sld [smem:$0x3FFB];
	_ =	sdelay $0x3  }
0x93: {  	_ =	strace s4  }
0x94: {  	s4 =	sld [smem:$0x3FFC];
	_ =	sdelay $0x3  }
0x95: {  	_ =	strace s4  }
0x96: {  	s4 =	sld [smem:$0x3FFD];
	_ =	sdelay $0x3  }
0x97: {  	_ =	strace s4  }
0x98: {  	_ =	strace $0x8FFFFFFF  }
0x99: {  	s19 =	sld [smem:$0x3FDB];
	_ =	sdelay $0x1  }
0x9a: {  	s5 =	simm.s32 $_scs_section_size  }
0x9b: {  	s6 =	simm.s32 $_size__tile_overlayer_lowered;
	s7 =	simm.s32 $_tile_overlayer_lowered  }
0x9c: {  	s22 =	simm.s32 $0x1BFF;
	s21 =	sshll.u32 s7, $0x1;
	s4 =	sadd.s32 s5, s19  }
0x9d: {  	s8 =	simm.s32 $0x0;
	s20 =	sshll.u32 s6, $0x1;
	s6 =	sadd.s32 s21, s4  }
0x9e: {  	[timem:s8], [sflag:s22] =	dma.local [hbm:s6], s20  }
0x9f: {  	_ =	swait.ge [sflag:s22], s20  }
0xa0: {  	s5 =	ssub.s32 $0x0, s20;
	[sflag:s22] =	ssyncset.done $0x0  }
0xa1: {  	[sflag:s22] =	ssyncadd.s32 s5;
	_ =	sdelay $0x1  }
0xa2: {  	s23 =	simm.s32 $0x1B8B  }
0xa3: {  	_ =	swait.ge [sflag:s23], $0x1  }
0xa4: {  	[sflag:s23] =	ssyncset.done $0x0  }
0xa5: {  	s25 =	simm.s32 $0x1B8E;
	s24 =	sld [smem:$0x3FFE];
	[sflag:s23] =	ssyncadd.s32 $0xFFFFFFFF  }
0xa6: {  	s26 =	simm.s32 $execute0_lowered;
	[smem:$0x3FD2] =	sst s25  }
0xa7: {  	s6 =	sshll.u32 s26, $0x1;
	_ =	strace $0x80000046;
	[dreg:$0x1] =	wrdreg $0xFFFFFFFF  }
0xa8: {  	s28 =	simm.s32 $_size_execute0_lowered;
	s4 =	sadd.s32 s4, s6;
	[dreg:$0x0] =	wrdreg $0x0  }
0xa9: {  	s6 =	sshll.u32 s28, $0x1;
	[dreg:$0x2] =	wrdreg s4  }
0xaa: {  	[dreg:$0x3] =	wrdreg s6  }
0xab: {  	[dreg:$0x4] =	wrdreg $0xC0  }
0xac: {  	_ =	task [dreg:s8], $0x5FFFF  }
0xad: {  	[dreg:$0x1] =	wrdreg $0xFFFFFFFF  }
0xae: {  	[dreg:$0x0] =	wrdreg $0x60  }
0xaf: {  	[dreg:$0x2] =	wrdreg s2  }
0xb0: {  	[dreg:$0x3] =	wrdreg s18  }
0xb1: {  	[dreg:$0x4] =	wrdreg s24  }
0xb2: {  	[dreg:$0x5] =	wrdreg $0x9  }
0xb3: {  	_ =	task.clear_ibuf [dreg:s8], $0x6FFFF;
	_ =	strace $0x90000046  }
0xb4: {  	s29 =	simm.s32 $0x9;
	_ =	strace $0x80000048  }
0xb5: {  	_ =	swait.ge [sflag:s29], $0x1  }
0xb6: {  	[sflag:s29] =	ssyncadd.s32 $0xFFFFFFFF  }
0xb7: {  	_ =	strace $0x90000048  }
0xb8: {  	_ =	sfence  }
0xb9: {  	s30 =	sld [smem:$0x0];
	_ =	sdelay $0x2  }
0xba: {  	s31 =	sshll.u32 s1, $0xD;
	s1 =	sshrl.u32 s1, $0x2  }
0xbb: {  	s3 =	sand.u32 $0x4000, s31;
	s1 =	sadd.s32 s1, s30  }
0xbc: {  	s0 =	sor.u32 s3, s0;
	s1 =	sshll.u32 s1, $0x11  }
0xbd: {  	s0 =	sor.u32 s1, s0  }
0xbe: {  	s0 =	sadd.s32 $0x8F2B, s0  }
0xbf: {  	[sflag:s0] =	ssyncadd.remote.s32 $0x1  }
0xc0: {  	_ =	sfence.sel $0xFFFF  }
0xc1: {  	[dreg:$0x0] =	wrdreg $0xFFFFFFFF;
	(pc) =	sbr.abs _section_cstart, $3  }
0xc2: {  	[dreg:$0x1] =	wrdreg $0xFFFFFFFF  }
0xc3: {  	_ =	task.clear_ibuf [dreg:s8], $0x2FFFF;
	_ =	strace $0x9FFFFFFF  }
0xc4: {  	(tm) =	ssettm $0x7FFFFFFF  }
0xc5: {  	_ =	shalt  }
tec
execute0_lowered:
.L_overlay_start_1:
0x0: {  	(tag) =	ssettag $0x1  }
0x1: {  	s1 =	rddreg [dreg:$0x0]  }
0x2: {  	s4 =	rddreg [dreg:$0x1]  }
0x3: {  	s2 =	srdreg.scid;
	s0 =	stileid.u32  }
0x4: {  	s5 =	rddreg [dreg:$0x2];
	s3 =	simm.s32 $0x0;
	s10 =	simm.s32 $0x60  }
0x5: {  	s11 =	simm.s32 $0x9800;
	s12 =	simm.s32 $0xC8;
	s13 =	simm.s32 $0xC800  }
0x6: {  	s14 =	simm.s32 $0x130;
	s15 =	simm.s32 $0xFC00;
	s16 =	simm.s32 $0x190  }
0x7: {  	s17 =	simm.s32 $0x12C00;
	s18 =	simm.s32 $0x1F8;
	s19 =	simm.s32 $0x16000  }
0x8: {  	s20 =	simm.s32 $0x1;
	s21 =	simm.s32 $0x2;
	s22 =	simm.s32 $0x19000  }
0x9: {  	s23 =	simm.s32 $0x4;
	s24 =	simm.s32 $0x3;
	s25 =	simm.s32 $0x0  }
0xa: {  	s6 =	sand.u32 $0x1, s2;
	s7 =	sshll.u32 s0, $0x1;
	[smem:$0x7FF] =	sst s3  }
.Ltmp0:
0xb: {  	s7 =	sor.u32 s6, s7;
	s6 =	ssub.s32 $0x2, s6;
	(pc) =	sbr.rel .LBB2_1-.Ltmp0, $4  }
0xc: {  	s8 =	smul.u32 $0xC80, s7;
	s7 =	sshll.u32 s7, $0xB;
	s9 =	sshrl.u32 s6, $0x1  }
0xd: {  	_ =	strace $0x80000047;
	s5 =	sadd.s32 s7, s5;
	s6 =	ssub.s32 s6, s9  }
0xe: {  	s7 =	simm.s32 $0x5;
	s9 =	simm.s32 $0x6400;
	s4 =	sadd.s32 s4, s8  }
0xf: {  	s5 =	sadd.s32 $0xA00, s5;
	s6 =	smax.u32 s6, $0x1;
	s8 =	simm.s32 $0x68  }
.LBB2_10:
0x10: {  	s25 =	sadd.s32 $0x1, s25  }
0x11: {  	p0 =	sne.s32 s25, s6  }
.Ltmp1:
0x12: {  	_ = 	snop;
	(pc) =	sbr.rel @!p0 .LBB2_11-.Ltmp1, $4  }
0x13: {  	[hbm4b:s5+s3] =	stream.linear.scatter [tilespmem:s22], [sflag:$0x4], $0x4000, $0x38;
	[tilespmem:$0x1D000] =	vst v63  }
0x14: {  	_ =	swait.ge [sflag:s23], $0x4000  }
0x15: {  	[sflag:s23] =	ssyncset.done $0x0  }
0x16: {  	[sflag:s23] =	ssyncadd.s32 $0xFFFFC000  }
.LBB2_1:
0x17: {  	[tilespmem:s3], [sflag:$0x5] =	stream.linear.gather [hbm4b:s4+s3], $0x6400, $0x38;
	[tilespmem:$0x1D000] =	vst v63  }
0x18: {  	_ =	swait.ge [sflag:s7], $0x6400  }
0x19: {  	[sflag:s7] =	ssyncset.done $0x0  }
0x1a: {  	[sflag:s7] =	ssyncadd.s32 $0xFFFF9C00  }
0x1b: {  	[tilespmem:s9], [sflag:$0x1] =	stream.indirect.gather [hbm4b:s1+s8], $0x80, s3, s8, $0xb8;
	[tilespmem:$0x1D000] =	vst v63  }
0x1c: {  	_ = 	snop  }
0x1d: {  	[tilespmem:s11], [sflag:$0x1] =	stream.indirect.gather [hbm4b:s1+s10], $0x80, s8, s10, $0xb8;
	[tilespmem:$0x1D000] =	vst v63  }
0x1e: {  	_ = 	snop  }
0x1f: {  	[tilespmem:s13], [sflag:$0x2] =	stream.indirect.gather [hbm4b:s1+s8], $0x80, s12, s8, $0xb8;
	[tilespmem:$0x1D000] =	vst v63  }
0x20: {  	_ = 	snop  }
0x21: {  	[tilespmem:s15], [sflag:$0x2] =	stream.indirect.gather [hbm4b:s1+s10], $0x80, s14, s10, $0xb8;
	[tilespmem:$0x1D000] =	vst v63  }
0x22: {  	_ = 	snop  }
0x23: {  	[tilespmem:s17], [sflag:$0x3] =	stream.indirect.gather [hbm4b:s1+s8], $0x80, s16, s8, $0xb8;
	[tilespmem:$0x1D000] =	vst v63  }
0x24: {  	s26 =	simm.s32 $0x0  }
0x25: {  	[tilespmem:s19], [sflag:$0x3] =	stream.indirect.gather [hbm4b:s1+s10], $0x80, s18, s10, $0xb8;
	[tilespmem:$0x1D000] =	vst v63  }
.LBB2_2:
0x26: {  	_ =	swait.ge [sflag:s20], $0x6400  }
0x27: {  	[sflag:s20] =	ssyncset.done $0x0  }
0x28: {  	s30 =	simm.s32 $0x0;
	[sflag:s20] =	ssyncadd.s32 $0xFFFF9C00  }
0x29: {  	v0 =	vld [tilespmem:s30+$0x6470]  }
0x2a: {  	v1 =	vld [tilespmem:s30+$0x6400]  }
0x2b: {  	v3 =	vld [tilespmem:s30+$0x6410]  }
0x2c: {  	v12 =	vld [tilespmem:s30+$0x6420]  }
0x2d: {  	v11 =	vld [tilespmem:s30+$0x6430]  }
0x2e: {  	v2 =	vimm.f32 $0.0e+00;
	v8 =	vimm.f32 $0.0e+00;
	v5 =	vld [tilespmem:s30+$0x6440]  }
0x2f: {  	v9 =	vimm.f32 $0.0e+00;
	v6 =	vld [tilespmem:s30+$0x6450];
	v0 =	vadd.f32 v0, v2;
	v7 =	vadd.f32 v1, v2  }
0x30: {  	s28 =	simm.s32 $0x80;
	s29 =	simm.s32 $0x400;
	v10 =	vld [tilespmem:s30+$0x6460];
	v4 =	vadd.f32 v3, v2;
	v3 =	vimm.f32 $0.0e+00;
	v1 =	vimm.f32 $0.0e+00  }
.LBB2_3:
0x31: {  	p0 =	sne.s32 s29, $0x18E00;
	v13 =	vld [tilespmem:s28+$0x6470];
	v2 =	vadd.f32 v12, v2  }
0x32: {  	v14 =	vld [tilespmem:s28+$0x6400];
	v8 =	vadd.f32 v11, v8  }
0x33: {  	v15 =	vld [tilespmem:s28+$0x6410];
	v9 =	vadd.f32 v5, v9  }
.Ltmp2:
0x34: {  	v12 =	vld [tilespmem:s28+$0x6420];
	v3 =	vadd.f32 v6, v3;
	(pc) =	sbr.rel @p0 .LBB2_3-.Ltmp2, $4  }
0x35: {  	v11 =	vld [tilespmem:s28+$0x6430];
	v1 =	vadd.f32 v10, v1  }
0x36: {  	v5 =	vld [tilespmem:s28+$0x6440];
	v0 =	vadd.f32 v13, v0  }
0x37: {  	v7 =	vadd.f32 v14, v7;
	v6 =	vld [tilespmem:s28+$0x6450]  }
0x38: {  	v4 =	vadd.f32 v15, v4;
	v10 =	vld [tilespmem:s28+$0x6460];
	s28 =	sshra.s32 s29, $0x2;
	s29 =	sadd.s32 $0x200, s29  }
0x39: {  	v13 =	vld [tilespmem:s28+$0x6400]  }
0x3a: {  	v14 =	vld [tilespmem:s28+$0x6410]  }
0x3b: {  	v15 =	vld [tilespmem:s28+$0x6420]  }
0x3c: {  	v2 =	vadd.f32 v12, v2;
	v12 =	vld [tilespmem:s28+$0x6450]  }
0x3d: {  	v8 =	vadd.f32 v11, v8;
	v11 =	vld [tilespmem:s28+$0x6460]  }
0x3e: {  	v16 =	vld [tilespmem:s28+$0x6430];
	v5 =	vadd.f32 v5, v9;
	v7 =	vadd.f32 v13, v7  }
0x3f: {  	v17 =	vld [tilespmem:s28+$0x6440];
	s29 =	smul.u32 $0x600, s26;
	v3 =	vadd.f32 v6, v3;
	v4 =	vadd.f32 v14, v4  }
0x40: {  	v9 =	vld [tilespmem:s28+$0x6470];
	v1 =	vadd.f32 v10, v1;
	v2 =	vadd.f32 v15, v2;
	v7 =	vmul.f32 $4.999999890e-03, v7  }
0x41: {  	s28 =	sshra.s32 s29, $0x2;
	v3 =	vadd.f32 v12, v3;
	v4 =	vmul.f32 $4.999999890e-03, v4  }
0x42: {  	v1 =	vadd.f32 v11, v1;
	v2 =	vmul.f32 $4.999999890e-03, v2;
	[tilespmem:s28+$0x19000] =	vst v7  }
0x43: {  	v6 =	vadd.f32 v16, v8;
	v3 =	vmul.f32 $4.999999890e-03, v3;
	[tilespmem:s28+$0x19010] =	vst v4  }
0x44: {  	v5 =	vadd.f32 v17, v5;
	v1 =	vmul.f32 $4.999999890e-03, v1;
	[tilespmem:s28+$0x19020] =	vst v2  }
0x45: {  	p0 =	seq.s32 s26, $0x2A;
	v0 =	vadd.f32 v9, v0;
	v4 =	vmul.f32 $4.999999890e-03, v6;
	[tilespmem:s28+$0x19050] =	vst v3  }
0x46: {  	s29 =	smul.u32 @!p0 $0x960, s26;
	v2 =	vmul.f32 $4.999999890e-03, v5;
	[tilespmem:s28+$0x19060] =	vst v1  }
0x47: {  	v0 =	vmul.f32 $4.999999890e-03, v0;
	[tilespmem:s28+$0x19030] =	vst v4  }
0x48: {  	s29 =	sshra.s32 @!p0 s29, $0x2;
	[tilespmem:s28+$0x19040] =	vst v2  }
0x49: {  	s31 =	simm.s32 @!p0 $0x68;
	s2 =	simm.s32 @!p0 $0x6400;
	s30 =	sadd.s32 @!p0 $0x258, s29;
	[tilespmem:s28+$0x19070] =	vst v0  }
0x4a: {  	[tilespmem:s2], [sflag:$0x1] =	stream.indirect.gather @!p0 [hbm4b:s1+s31], $0x80, s30, s31, $0xb8;
	[tilespmem:$0x1D000] =	vst v63  }
0x4b: {  	s2 =	sadd.s32 @!p0 $0x2C0, s29;
	s29 =	simm.s32 @!p0 $0x60;
	s30 =	simm.s32 @!p0 $0x9800  }
0x4c: {  	[tilespmem:s30], [sflag:$0x1] =	stream.indirect.gather @!p0 [hbm4b:s1+s29], $0x80, s2, s29, $0xb8;
	[tilespmem:$0x1D000] =	vst v63  }
0x4d: {  	_ =	swait.ge [sflag:s21], $0x6400  }
0x4e: {  	[sflag:s21] =	ssyncset.done $0x0  }
0x4f: {  	s31 =	simm.s32 $0x0;
	[sflag:s21] =	ssyncadd.s32 $0xFFFF9C00  }
0x50: {  	v0 =	vld [tilespmem:s31+$0xC870]  }
0x51: {  	v2 =	vld [tilespmem:s31+$0xC800]  }
0x52: {  	v3 =	vld [tilespmem:s31+$0xC810]  }
0x53: {  	v12 =	vld [tilespmem:s31+$0xC820]  }
0x54: {  	v10 =	vld [tilespmem:s31+$0xC830]  }
0x55: {  	v9 =	vimm.f32 $0.0e+00;
	v1 =	vimm.f32 $0.0e+00;
	v7 =	vld [tilespmem:s31+$0xC840]  }
0x56: {  	v6 =	vimm.f32 $0.0e+00;
	v8 =	vld [tilespmem:s31+$0xC850];
	v0 =	vadd.f32 v0, v1;
	v5 =	vadd.f32 v2, v1  }
0x57: {  	s29 =	simm.s32 $0x80;
	s30 =	simm.s32 $0x400;
	v11 =	vld [tilespmem:s31+$0xC860];
	v4 =	vadd.f32 v3, v1;
	v3 =	vimm.f32 $0.0e+00;
	v2 =	vimm.f32 $0.0e+00  }
.LBB2_5:
0x58: {  	p1 =	sne.s32 s30, $0x18E00;
	v13 =	vld [tilespmem:s29+$0xC870];
	v1 =	vadd.f32 v12, v1  }
0x59: {  	v14 =	vld [tilespmem:s29+$0xC800];
	v6 =	vadd.f32 v10, v6  }
0x5a: {  	v15 =	vld [tilespmem:s29+$0xC810];
	v9 =	vadd.f32 v7, v9  }
.Ltmp3:
0x5b: {  	v12 =	vld [tilespmem:s29+$0xC820];
	v3 =	vadd.f32 v8, v3;
	(pc) =	sbr.rel @p1 .LBB2_5-.Ltmp3, $4  }
0x5c: {  	v10 =	vld [tilespmem:s29+$0xC830];
	v2 =	vadd.f32 v11, v2  }
0x5d: {  	v7 =	vld [tilespmem:s29+$0xC840];
	v0 =	vadd.f32 v13, v0  }
0x5e: {  	v5 =	vadd.f32 v14, v5;
	v8 =	vld [tilespmem:s29+$0xC850]  }
0x5f: {  	v4 =	vadd.f32 v15, v4;
	v11 =	vld [tilespmem:s29+$0xC860];
	s29 =	sshra.s32 s30, $0x2;
	s30 =	sadd.s32 $0x200, s30  }
0x60: {  	v13 =	vld [tilespmem:s29+$0xC800]  }
0x61: {  	v14 =	vld [tilespmem:s29+$0xC810]  }
0x62: {  	v15 =	vld [tilespmem:s29+$0xC820]  }
0x63: {  	v16 =	vld [tilespmem:s29+$0xC830]  }
0x64: {  	v17 =	vld [tilespmem:s29+$0xC840]  }
0x65: {  	v1 =	vadd.f32 v12, v1;
	v58 =	vld [tilespmem:s29+$0xC850];
	v5 =	vadd.f32 v13, v5  }
0x66: {  	v60 =	vld [tilespmem:s29+$0xC870];
	v6 =	vadd.f32 v10, v6;
	v4 =	vadd.f32 v14, v4  }
0x67: {  	v59 =	vld [tilespmem:s29+$0xC860];
	v7 =	vadd.f32 v7, v9;
	v1 =	vadd.f32 v15, v1;
	v5 =	vmul.f32 $4.999999890e-03, v5  }
0x68: {  	v3 =	vadd.f32 v8, v3;
	v6 =	vadd.f32 v16, v6;
	v4 =	vmul.f32 $4.999999890e-03, v4  }
0x69: {  	v7 =	vadd.f32 v17, v7;
	v1 =	vmul.f32 $4.999999890e-03, v1;
	[tilespmem:s28+$0x19080] =	vst v5  }
0x6a: {  	v2 =	vadd.f32 v11, v2;
	v3 =	vadd.f32 v58, v3;
	v61 =	vmul.f32 $4.999999890e-03, v6;
	[tilespmem:s28+$0x19090] =	vst v4  }
0x6b: {  	v0 =	vadd.f32 v60, v0;
	v62 =	vmul.f32 $4.999999890e-03, v7;
	[tilespmem:s28+$0x190A0] =	vst v1  }
.Ltmp4:
0x6c: {  	v2 =	vadd.f32 v59, v2;
	v3 =	vmul.f32 $4.999999890e-03, v3;
	[tilespmem:s28+$0x190B0] =	vst v61;
	(pc) =	sbr.rel @p0 .LBB2_10-.Ltmp4, $4  }
0x6d: {  	v0 =	vmul.f32 $4.999999890e-03, v0;
	[tilespmem:s28+$0x190C0] =	vst v62  }
0x6e: {  	v63 =	vmul.f32 $4.999999890e-03, v2;
	[tilespmem:s28+$0x190D0] =	vst v3  }
0x6f: {  	[tilespmem:s28+$0x190F0] =	vst v0  }
0x70: {  	[tilespmem:s28+$0x190E0] =	vst v63  }
0x71: {  	s2 =	smul.u32 $0x960, s26;
	_ =	sdelay $0x1  }
0x72: {  	s29 =	sshra.s32 s2, $0x2  }
0x73: {  	s2 =	sadd.s32 $0x320, s29  }
0x74: {  	[tilespmem:s13], [sflag:$0x2] =	stream.indirect.gather [hbm4b:s1+s8], $0x80, s2, s8, $0xb8;
	[tilespmem:$0x1D000] =	vst v63  }
0x75: {  	s2 =	sadd.s32 $0x388, s29  }
0x76: {  	[tilespmem:s15], [sflag:$0x2] =	stream.indirect.gather [hbm4b:s1+s10], $0x80, s2, s10, $0xb8;
	[tilespmem:$0x1D000] =	vst v63  }
0x77: {  	_ =	swait.ge [sflag:s24], $0x6400  }
0x78: {  	[sflag:s24] =	ssyncset.done $0x0  }
0x79: {  	s2 =	simm.s32 $0x0;
	[sflag:s24] =	ssyncadd.s32 $0xFFFF9C00  }
0x7a: {  	v0 =	vld [tilespmem:s2+$0x12C70]  }
0x7b: {  	v2 =	vld [tilespmem:s2+$0x12C00]  }
0x7c: {  	v3 =	vld [tilespmem:s2+$0x12C10]  }
0x7d: {  	v12 =	vld [tilespmem:s2+$0x12C20]  }
0x7e: {  	v10 =	vld [tilespmem:s2+$0x12C30]  }
0x7f: {  	v1 =	vimm.f32 $0.0e+00;
	v6 =	vimm.f32 $0.0e+00;
	v7 =	vld [tilespmem:s2+$0x12C40]  }
0x80: {  	v9 =	vimm.f32 $0.0e+00;
	v8 =	vld [tilespmem:s2+$0x12C50];
	v0 =	vadd.f32 v0, v1;
	v5 =	vadd.f32 v2, v1  }
0x81: {  	s30 =	simm.s32 $0x80;
	s31 =	simm.s32 $0x400;
	v11 =	vld [tilespmem:s2+$0x12C60];
	v4 =	vadd.f32 v3, v1;
	v3 =	vimm.f32 $0.0e+00;
	v2 =	vimm.f32 $0.0e+00  }
.LBB2_8:
0x82: {  	p0 =	sne.s32 s31, $0x18E00;
	v13 =	vld [tilespmem:s30+$0x12C70];
	v1 =	vadd.f32 v12, v1  }
0x83: {  	v14 =	vld [tilespmem:s30+$0x12C00];
	v6 =	vadd.f32 v10, v6  }
0x84: {  	v15 =	vld [tilespmem:s30+$0x12C10];
	v9 =	vadd.f32 v7, v9  }
.Ltmp5:
0x85: {  	v12 =	vld [tilespmem:s30+$0x12C20];
	v3 =	vadd.f32 v8, v3;
	(pc) =	sbr.rel @p0 .LBB2_8-.Ltmp5, $4  }
0x86: {  	v10 =	vld [tilespmem:s30+$0x12C30];
	v2 =	vadd.f32 v11, v2  }
0x87: {  	v7 =	vld [tilespmem:s30+$0x12C40];
	v0 =	vadd.f32 v13, v0  }
0x88: {  	v5 =	vadd.f32 v14, v5;
	v8 =	vld [tilespmem:s30+$0x12C50]  }
0x89: {  	v4 =	vadd.f32 v15, v4;
	v11 =	vld [tilespmem:s30+$0x12C60];
	s30 =	sshra.s32 s31, $0x2;
	s31 =	sadd.s32 $0x200, s31  }
0x8a: {  	v13 =	vld [tilespmem:s30+$0x12C00]  }
0x8b: {  	v14 =	vld [tilespmem:s30+$0x12C10]  }
0x8c: {  	v15 =	vld [tilespmem:s30+$0x12C20]  }
0x8d: {  	v16 =	vld [tilespmem:s30+$0x12C30]  }
0x8e: {  	v17 =	vld [tilespmem:s30+$0x12C40]  }
0x8f: {  	v1 =	vadd.f32 v12, v1;
	v58 =	vld [tilespmem:s30+$0x12C50];
	v5 =	vadd.f32 v13, v5  }
0x90: {  	v60 =	vld [tilespmem:s30+$0x12C70];
	v6 =	vadd.f32 v10, v6;
	v4 =	vadd.f32 v14, v4  }
0x91: {  	v59 =	vld [tilespmem:s30+$0x12C60];
	v7 =	vadd.f32 v7, v9;
	v1 =	vadd.f32 v15, v1;
	v5 =	vmul.f32 $4.999999890e-03, v5  }
0x92: {  	v3 =	vadd.f32 v8, v3;
	v6 =	vadd.f32 v16, v6;
	v4 =	vmul.f32 $4.999999890e-03, v4  }
0x93: {  	v7 =	vadd.f32 v17, v7;
	v1 =	vmul.f32 $4.999999890e-03, v1;
	[tilespmem:s28+$0x19100] =	vst v5  }
0x94: {  	v2 =	vadd.f32 v11, v2;
	v3 =	vadd.f32 v58, v3;
	v61 =	vmul.f32 $4.999999890e-03, v6;
	[tilespmem:s28+$0x19110] =	vst v4  }
0x95: {  	v0 =	vadd.f32 v60, v0;
	v62 =	vmul.f32 $4.999999890e-03, v7;
	[tilespmem:s28+$0x19120] =	vst v1  }
0x96: {  	v2 =	vadd.f32 v59, v2;
	v3 =	vmul.f32 $4.999999890e-03, v3;
	[tilespmem:s28+$0x19130] =	vst v61  }
0x97: {  	v0 =	vmul.f32 $4.999999890e-03, v0;
	[tilespmem:s28+$0x19140] =	vst v62  }
0x98: {  	v63 =	vmul.f32 $4.999999890e-03, v2;
	[tilespmem:s28+$0x19150] =	vst v3  }
0x99: {  	p0 =	sgt.u32 s26, $0x28;
	s26 =	sadd.s32 $0x1, s26;
	[tilespmem:s28+$0x19170] =	vst v0  }
0x9a: {  	s2 =	sadd.s32 @!p0 $0x3E8, s29;
	s30 =	simm.s32 @!p0 $0x12C00;
	[tilespmem:s28+$0x19160] =	vst v63;
	s28 =	simm.s32 @!p0 $0x68  }
0x9b: {  	[tilespmem:s30], [sflag:$0x3] =	stream.indirect.gather @!p0 [hbm4b:s1+s28], $0x80, s2, s28, $0xb8;
	[tilespmem:$0x1D000] =	vst v63  }
0x9c: {  	s2 =	sadd.s32 @!p0 $0x450, s29;
	s28 =	simm.s32 @!p0 $0x60;
	s29 =	simm.s32 @!p0 $0x16000  }
0x9d: {  	[tilespmem:s29], [sflag:$0x3] =	stream.indirect.gather @!p0 [hbm4b:s1+s28], $0x80, s2, s28, $0xb8;
	[tilespmem:$0x1D000] =	vst v63  }
0x9e: {  	p0 =	sne.s32 s26, $0x2B  }
.Ltmp6:
0x9f: {  	_ = 	snop;
	(pc) =	sbr.rel @p0 .LBB2_2-.Ltmp6, $4  }
.Ltmp7:
0xa0: {  	_ = 	snop;
	(pc) =	sbr.rel @!p0 .LBB2_10-.Ltmp7, $4  }
0xa1: {  	_ = 	snop  }
0xa2: {  	_ = 	snop  }
0xa3: {  	_ = 	snop  }
0xa4: {  	_ = 	snop  }
.LBB2_11:
0xa5: {  	_ =	sfence.sel $0x180000  }
0xa6: {  	[bflag:$0x0] =	sbarrier.arrive $0xFFFF  }
0xa7: {  	_ =	strace $0x90000047  }
0xa8: {  	[bflag:$0x2] =	sbarrier.arrive $0xFFFF  }
0xa9: {  	p0 =	sne.s32 s0, $0x0;
	s0 =	rddreg [dreg:$0x3]  }
0xaa: {  	s0 =	sadd.s32 @!p0 $0x100000, s0  }
0xab: {  	[sflag:s0] =	ssyncadd.tile.s32 @!p0 $0x1;
	_ =	shalt  }
.Lfunc_end2:
_tile_overlayer_lowered:
.L_overlay_start_2:
0xac: {  	(tag) =	ssettag $0x2  }
0xad: {  	s0 =	rddreg [dreg:$0x0];
	s2 =	stileid.u32  }
0xae: {  	s1 =	rddreg [dreg:$0x1];
	p0 =	sne.s32 s2, $0x0  }
0xaf: {  	s3 =	rddreg [dreg:$0x2];
	[bflag:$0x3] =	sbarrier.arrive $0xFFFF;
	s2 =	simm.s32 @!p0 $0x1C05  }
0xb0: {  	[timem:s3], [sflag:s2] =	dma.local @!p0 [hbm:s0], s1  }
0xb1: {  	s0 =	simm.s32 @!p0 $0x5  }
0xb2: {  	_ =	swait.ge @!p0 [sflag:s0], s1  }
0xb3: {  	s1 =	ssub.s32 @!p0 $0x0, s1;
	[sflag:s0] =	ssyncset.done @!p0 $0x0  }
0xb4: {  	[sflag:s0] =	ssyncadd.s32 @!p0 s1  }
0xb5: {  	[bflag:$0x3] =	sbarrier.arrive $0xFFFF  }
0xb6: {  	_ =	shalt  }

</sc_bundles>
